<compile_context>
chip_gen: v7x
topology: tpu7x:2x2x1
jax: 0.10.2.dev20260603
libtpu: 0.0.44.dev20260713+nightly
codegen_flags: <defaults>
</compile_context>

<pallas_src>
import functools

import jax
import jax.numpy as jnp
from jax import lax
from jax.experimental import pallas as pl
from jax.experimental.pallas import tpu as pltpu
from jax.experimental.pallas import tpu_sc as plsc

_NC = 2
_NS = 16
_NW = _NC * _NS
_LANES = 16
_CHUNK = 8000


@functools.partial(jax.jit, static_argnames=("e", "n_nodes"))
def _degree_partials(adjs_flat, e, n_nodes):
    epw = e // _NW
    nchunk = epw // _CHUNK
    assert epw % _CHUNK == 0 and e % _NW == 0 and n_nodes % _LANES == 0

    mesh = plsc.VectorSubcoreMesh(
        core_axis_name="c", subcore_axis_name="s",
        num_cores=_NC, num_subcores=_NS)

    @functools.partial(
        pl.kernel,
        out_type=jax.ShapeDtypeStruct((_NW * n_nodes,), jnp.float32),
        mesh=mesh,
        scratch_types=[
            pltpu.VMEM((_CHUNK,), jnp.int32),
            pltpu.VMEM((_CHUNK,), jnp.int32),
            pltpu.VMEM((_CHUNK,), jnp.int32),
            pltpu.VMEM((n_nodes,), jnp.float32),
            pltpu.SemaphoreType.DMA,
            pltpu.SemaphoreType.DMA,
            pltpu.SemaphoreType.DMA,
        ],
        compiler_params=pltpu.CompilerParams(needs_layout_passes=False),
    )
    def hist(adjs_hbm, part_hbm, idx0, idx1, idx2, acc, sem0, sem1, sem2):
        wid = lax.axis_index("s") * _NC + lax.axis_index("c")
        base = e + wid * epw

        bufs = (idx0, idx1, idx2)
        sems = (sem0, sem1, sem2)
        copies = [None, None, None]
        for b in range(min(3, nchunk)):
            copies[b] = pltpu.async_copy(
                adjs_hbm.at[pl.ds(base + b * _CHUNK, _CHUNK)], bufs[b], sems[b])

        zeros16 = jnp.zeros((_LANES,), jnp.float32)

        @plsc.parallel_loop(0, n_nodes // _LANES, step=1, unroll=8)
        def _(i):
            acc[pl.ds(i * _LANES, _LANES)] = zeros16

        ones16 = jnp.ones((_LANES,), jnp.float32)

        for g in range(nchunk):
            copies[g % 3].wait()
            buf = bufs[g % 3]

            @plsc.parallel_loop(0, _CHUNK // _LANES, step=1, unroll=8)
            def _(i):
                idx = buf[pl.ds(i * _LANES, _LANES)]
                plsc.addupdate_scatter(acc, [idx], ones16)

            if g + 3 < nchunk:
                nb = g % 3
                copies[nb] = pltpu.async_copy(
                    adjs_hbm.at[pl.ds(base + (g + 3) * _CHUNK, _CHUNK)],
                    bufs[nb], sems[nb])

        pltpu.sync_copy(acc, part_hbm.at[pl.ds(wid * n_nodes, n_nodes)])

    return hist(adjs_flat)


def _finalize(x_row, wl_row, bl_row, parts):
    n = x_row.shape[1]

    def body(x_ref, w_ref, b_ref, p_ref, o_ref):
        a = jnp.sum(w_ref[...])
        b = jnp.sum(b_ref[...])
        deg = jnp.sum(p_ref[...], axis=0, keepdims=True)
        o_ref[...] = x_ref[...] + jnp.maximum(deg, 1.0) * a + b

    return pl.pallas_call(
        body,
        out_shape=jax.ShapeDtypeStruct((1, n), jnp.float32),
    )(x_row, wl_row, bl_row, parts)


def kernel(x, adjs, Wl, bl, Wf, bf):
    n = x.shape[0]
    nl = Wl.shape[0]
    parts = _degree_partials(adjs.reshape(-1), adjs.shape[1], n)
    out = _finalize(
        x.reshape(1, n),
        Wl.reshape(1, nl),
        bl.reshape(1, nl),
        parts.reshape(_NW, n),
    )
    return out.reshape(n)

# --- scband reference (transcript-rebuilt; emitter-appended) ---
"""Pipeline reference for scband-net-17085379904143 (READ-ONLY COPY).

The authoritative reference and input builder live on the scoring server;
editing this copy changes nothing except your own understanding.
"""

import jax, jax.numpy as jnp
import numpy as np

N = 100000
E = 6400000
L = 3


def setup_inputs(seed: int = 0) -> dict:
    key = jax.random.key(seed)
    k1, k2, k3, k4, k5, k6 = jax.random.split(key, 6)
    x = jax.random.normal(k1, (N, 1), dtype=jnp.float32)
    adjs = jax.random.randint(k2, (2, E), 0, N, dtype=jnp.int32)
    # Per-layer lin_l: Linear(1, 1) -> weight [L,1,1], bias [L,1]
    Wl = jax.random.normal(k3, (L, 1, 1), dtype=jnp.float32) * 0.5
    bl = jax.random.normal(k4, (L, 1), dtype=jnp.float32) * 0.1
    # Per-layer lin_f: Linear(1, 1) (output discarded in original module)
    Wf = jax.random.normal(k5, (L, 1, 1), dtype=jnp.float32) * 0.5
    bf = jax.random.normal(k6, (L, 1), dtype=jnp.float32) * 0.1
    return {"x": x, "adjs": adjs, "Wl": Wl, "bl": bl, "Wf": Wf, "bf": bf}


def reference(x, adjs, Wl, bl, Wf, bf):
    # degree of destination nodes (same every layer since edge_index is fixed)
    dst = adjs[1]
    deg = jnp.zeros((N,), dtype=jnp.float32).at[dst].add(1.0)
    deg = jnp.maximum(deg, 1.0).reshape(-1, 1)
    h = x
    for i in range(L):
        out = deg @ Wl[i] + bl[i]          # lin_l(deg)
        out = out + h                       # out += x_r
        _ = out @ Wf[i] + bf[i]             # lin_f(out), result discarded
        h = out
        # dropout skipped (eval mode)
    return jnp.reshape(h, (-1,))

if __name__ == "__main__":
    import jax
    _d = setup_inputs()
    print(jax.jit(kernel)(*tuple(_d.values())))

</pallas_src>

<mosaic_0001>
#map = affine_map<(d0, d1) -> (0)>
module attributes {stable_mosaic.version = 14 : i64} {
  func.func @hist(%arg0: i32, %arg1: i32, %arg2: memref<12800000xi32, #tpu.memory_space<hbm>>, %arg3: memref<3200000xf32, #tpu.memory_space<hbm>>, %arg4: memref<8000xi32, #tpu.memory_space<vmem>>, %arg5: memref<8000xi32, #tpu.memory_space<vmem>>, %arg6: memref<8000xi32, #tpu.memory_space<vmem>>, %arg7: memref<100000xf32, #tpu.memory_space<vmem>>, %arg8: memref<!tpu.dma_semaphore, #tpu.memory_space<semaphore_mem>>, %arg9: memref<!tpu.dma_semaphore, #tpu.memory_space<semaphore_mem>>, %arg10: memref<!tpu.dma_semaphore, #tpu.memory_space<semaphore_mem>>) attributes {dimension_semantics = [#tpu.dimension_semantics<core_parallel>, #tpu.dimension_semantics<subcore_parallel>], iteration_bounds = array<i64: 2, 16>, scalar_prefetch = 0 : i64, scratch_operands = 7 : i64, tpu.core_type = #tpu.core_type<sc_vector_subcore>, window_params = [{transform_indices = #map}, {transform_indices = #map}]} {
    %mul3A = arith.constant 2 : i32
    %mul3A_0 = arith.muli %arg1, %mul3A : i32
    %add3A = arith.addi %mul3A_0, %arg0 : i32
    %mul3A_1 = arith.constant 200000 : i32
    %mul3A_2 = arith.muli %add3A, %mul3A_1 : i32
    %add3A_3 = arith.constant 6400000 : i32
    %add3A_4 = arith.addi %add3A_3, %mul3A_2 : i32
    %add3A_5 = arith.constant 0 : i32
    %add3A_6 = arith.addi %add3A_4, %add3A_5 : i32
    %dma_start3A = tpu.memref_slice %arg2[%add3A_6] : memref<12800000xi32, #tpu.memory_space<hbm>> -> memref<8000xi32, #tpu.memory_space<hbm>>
    %dma_start3A_7 = tpu.memref_slice %arg2[%add3A_6] : memref<12800000xi32, #tpu.memory_space<hbm>> -> memref<8000xi32, #tpu.memory_space<hbm>>
    tpu.enqueue_dma source(%dma_start3A_7 : memref<8000xi32, #tpu.memory_space<hbm>>) target(%arg4 : memref<8000xi32, #tpu.memory_space<vmem>>) target_semaphore(%arg8 : memref<!tpu.dma_semaphore, #tpu.memory_space<semaphore_mem>>)
    %add3A_8 = arith.constant 8000 : i32
    %add3A_9 = arith.addi %add3A_4, %add3A_8 : i32
    %dma_start3A_10 = tpu.memref_slice %arg2[%add3A_9] : memref<12800000xi32, #tpu.memory_space<hbm>> -> memref<8000xi32, #tpu.memory_space<hbm>>
    %dma_start3A_11 = tpu.memref_slice %arg2[%add3A_9] : memref<12800000xi32, #tpu.memory_space<hbm>> -> memref<8000xi32, #tpu.memory_space<hbm>>
    tpu.enqueue_dma source(%dma_start3A_11 : memref<8000xi32, #tpu.memory_space<hbm>>) target(%arg5 : memref<8000xi32, #tpu.memory_space<vmem>>) target_semaphore(%arg9 : memref<!tpu.dma_semaphore, #tpu.memory_space<semaphore_mem>>)
    %add3A_12 = arith.constant 16000 : i32
    %add3A_13 = arith.addi %add3A_4, %add3A_12 : i32
    %dma_start3A_14 = tpu.memref_slice %arg2[%add3A_13] : memref<12800000xi32, #tpu.memory_space<hbm>> -> memref<8000xi32, #tpu.memory_space<hbm>>
    %dma_start3A_15 = tpu.memref_slice %arg2[%add3A_13] : memref<12800000xi32, #tpu.memory_space<hbm>> -> memref<8000xi32, #tpu.memory_space<hbm>>
    tpu.enqueue_dma source(%dma_start3A_15 : memref<8000xi32, #tpu.memory_space<hbm>>) target(%arg6 : memref<8000xi32, #tpu.memory_space<vmem>>) target_semaphore(%arg10 : memref<!tpu.dma_semaphore, #tpu.memory_space<semaphore_mem>>)
    %broadcast_in_dim3A = arith.constant 0.000000e+00 : f32
    %broadcast_in_dim3A_16 = vector.broadcast %broadcast_in_dim3A : f32 to vector<16xf32>
    %parallel_loop3A = arith.constant 0 : i32
    %parallel_loop3A_17 = arith.constant 6250 : i32
    %parallel_loop3A_18 = arith.constant 1 : i32
    scf.for %parallel_loop3A_235 = %parallel_loop3A to %parallel_loop3A_17 step %parallel_loop3A_18  : i32 {
      %parallel_loop3A_236 = arith.constant 16 : i32
      %parallel_loop3A_237 = arith.muli %parallel_loop3A_235, %parallel_loop3A_236 : i32
      %parallel_loop3A_238 = arith.index_cast %parallel_loop3A_237 : i32 to index
      %parallel_loop3A_239 = tpu.vector_load %arg7[%parallel_loop3A_238] {strides = array<i32>} : memref<100000xf32, #tpu.memory_space<vmem>>, vector<16xf32>,
      tpu.vector_store %arg7[%parallel_loop3A_238], %broadcast_in_dim3A_16 {strides = array<i32>} : memref<100000xf32, #tpu.memory_space<vmem>>, vector<16xf32>,
    } {sc.loop_unroll_factor = 8 : i64, sc.parallel_access}
    %broadcast_in_dim3A_19 = arith.constant 1.000000e+00 : f32
    %broadcast_in_dim3A_20 = vector.broadcast %broadcast_in_dim3A_19 : f32 to vector<16xf32>
    %dma_wait3A = tpu.memref_slice %arg2[%add3A_6] : memref<12800000xi32, #tpu.memory_space<hbm>> -> memref<8000xi32, #tpu.memory_space<hbm>>
    %dma_wait3A_21 = tpu.memref_slice %arg2[%add3A_6] : memref<12800000xi32, #tpu.memory_space<hbm>> -> memref<8000xi32, #tpu.memory_space<hbm>>
    tpu.wait_dma2 semaphore(%arg8 : memref<!tpu.dma_semaphore, #tpu.memory_space<semaphore_mem>>) src(%dma_wait3A_21 : memref<8000xi32, #tpu.memory_space<hbm>>) dst(%arg4 : memref<8000xi32, #tpu.memory_space<vmem>>)
    %parallel_loop3A_22 = arith.constant 0 : i32
    %parallel_loop3A_23 = arith.constant 500 : i32
    %parallel_loop3A_24 = arith.constant 1 : i32
    scf.for %parallel_loop3A_235 = %parallel_loop3A_22 to %parallel_loop3A_23 step %parallel_loop3A_24  : i32 {
      %parallel_loop3A_236 = arith.constant 16 : i32
      %parallel_loop3A_237 = arith.muli %parallel_loop3A_235, %parallel_loop3A_236 : i32
      %parallel_loop3A_238 = arith.index_cast %parallel_loop3A_237 : i32 to index
      %parallel_loop3A_239 = tpu.vector_load %arg4[%parallel_loop3A_238] {strides = array<i32>} : memref<8000xi32, #tpu.memory_space<vmem>>, vector<16xi32>,
      tpu.vector_store_idx %arg7[%parallel_loop3A_239], %broadcast_in_dim3A_20 {add = true} : memref<100000xf32, #tpu.memory_space<vmem>>[vector<16xi32>], vector<16xf32>,
    } {sc.loop_unroll_factor = 8 : i64, sc.parallel_access}
    %add3A_25 = arith.constant 24000 : i32
    %add3A_26 = arith.addi %add3A_4, %add3A_25 : i32
    %dma_start3A_27 = tpu.memref_slice %arg2[%add3A_26] : memref<12800000xi32, #tpu.memory_space<hbm>> -> memref<8000xi32, #tpu.memory_space<hbm>>
    %dma_start3A_28 = tpu.memref_slice %arg2[%add3A_26] : memref<12800000xi32, #tpu.memory_space<hbm>> -> memref<8000xi32, #tpu.memory_space<hbm>>
    tpu.enqueue_dma source(%dma_start3A_28 : memref<8000xi32, #tpu.memory_space<hbm>>) target(%arg4 : memref<8000xi32, #tpu.memory_space<vmem>>) target_semaphore(%arg8 : memref<!tpu.dma_semaphore, #tpu.memory_space<semaphore_mem>>)
    %dma_wait3A_29 = tpu.memref_slice %arg2[%add3A_9] : memref<12800000xi32, #tpu.memory_space<hbm>> -> memref<8000xi32, #tpu.memory_space<hbm>>
    %dma_wait3A_30 = tpu.memref_slice %arg2[%add3A_9] : memref<12800000xi32, #tpu.memory_space<hbm>> -> memref<8000xi32, #tpu.memory_space<hbm>>
    tpu.wait_dma2 semaphore(%arg9 : memref<!tpu.dma_semaphore, #tpu.memory_space<semaphore_mem>>) src(%dma_wait3A_30 : memref<8000xi32, #tpu.memory_space<hbm>>) dst(%arg5 : memref<8000xi32, #tpu.memory_space<vmem>>)
    %parallel_loop3A_31 = arith.constant 0 : i32
    %parallel_loop3A_32 = arith.constant 500 : i32
    %parallel_loop3A_33 = arith.constant 1 : i32
    scf.for %parallel_loop3A_235 = %parallel_loop3A_31 to %parallel_loop3A_32 step %parallel_loop3A_33  : i32 {
      %parallel_loop3A_236 = arith.constant 16 : i32
      %parallel_loop3A_237 = arith.muli %parallel_loop3A_235, %parallel_loop3A_236 : i32
      %parallel_loop3A_238 = arith.index_cast %parallel_loop3A_237 : i32 to index
      %parallel_loop3A_239 = tpu.vector_load %arg5[%parallel_loop3A_238] {strides = array<i32>} : memref<8000xi32, #tpu.memory_space<vmem>>, vector<16xi32>,
      tpu.vector_store_idx %arg7[%parallel_loop3A_239], %broadcast_in_dim3A_20 {add = true} : memref<100000xf32, #tpu.memory_space<vmem>>[vector<16xi32>], vector<16xf32>,
    } {sc.loop_unroll_factor = 8 : i64, sc.parallel_access}
    %add3A_34 = arith.constant 32000 : i32
    %add3A_35 = arith.addi %add3A_4, %add3A_34 : i32
    %dma_start3A_36 = tpu.memref_slice %arg2[%add3A_35] : memref<12800000xi32, #tpu.memory_space<hbm>> -> memref<8000xi32, #tpu.memory_space<hbm>>
    %dma_start3A_37 = tpu.memref_slice %arg2[%add3A_35] : memref<12800000xi32, #tpu.memory_space<hbm>> -> memref<8000xi32, #tpu.memory_space<hbm>>
    tpu.enqueue_dma source(%dma_start3A_37 : memref<8000xi32, #tpu.memory_space<hbm>>) target(%arg5 : memref<8000xi32, #tpu.memory_space<vmem>>) target_semaphore(%arg9 : memref<!tpu.dma_semaphore, #tpu.memory_space<semaphore_mem>>)
    %dma_wait3A_38 = tpu.memref_slice %arg2[%add3A_13] : memref<12800000xi32, #tpu.memory_space<hbm>> -> memref<8000xi32, #tpu.memory_space<hbm>>
    %dma_wait3A_39 = tpu.memref_slice %arg2[%add3A_13] : memref<12800000xi32, #tpu.memory_space<hbm>> -> memref<8000xi32, #tpu.memory_space<hbm>>
    tpu.wait_dma2 semaphore(%arg10 : memref<!tpu.dma_semaphore, #tpu.memory_space<semaphore_mem>>) src(%dma_wait3A_39 : memref<8000xi32, #tpu.memory_space<hbm>>) dst(%arg6 : memref<8000xi32, #tpu.memory_space<vmem>>)
    %parallel_loop3A_40 = arith.constant 0 : i32
    %parallel_loop3A_41 = arith.constant 500 : i32
    %parallel_loop3A_42 = arith.constant 1 : i32
    scf.for %parallel_loop3A_235 = %parallel_loop3A_40 to %parallel_loop3A_41 step %parallel_loop3A_42  : i32 {
      %parallel_loop3A_236 = arith.constant 16 : i32
      %parallel_loop3A_237 = arith.muli %parallel_loop3A_235, %parallel_loop3A_236 : i32
      %parallel_loop3A_238 = arith.index_cast %parallel_loop3A_237 : i32 to index
      %parallel_loop3A_239 = tpu.vector_load %arg6[%parallel_loop3A_238] {strides = array<i32>} : memref<8000xi32, #tpu.memory_space<vmem>>, vector<16xi32>,
      tpu.vector_store_idx %arg7[%parallel_loop3A_239], %broadcast_in_dim3A_20 {add = true} : memref<100000xf32, #tpu.memory_space<vmem>>[vector<16xi32>], vector<16xf32>,
    } {sc.loop_unroll_factor = 8 : i64, sc.parallel_access}
    %add3A_43 = arith.constant 40000 : i32
    %add3A_44 = arith.addi %add3A_4, %add3A_43 : i32
    %dma_start3A_45 = tpu.memref_slice %arg2[%add3A_44] : memref<12800000xi32, #tpu.memory_space<hbm>> -> memref<8000xi32, #tpu.memory_space<hbm>>
    %dma_start3A_46 = tpu.memref_slice %arg2[%add3A_44] : memref<12800000xi32, #tpu.memory_space<hbm>> -> memref<8000xi32, #tpu.memory_space<hbm>>
    tpu.enqueue_dma source(%dma_start3A_46 : memref<8000xi32, #tpu.memory_space<hbm>>) target(%arg6 : memref<8000xi32, #tpu.memory_space<vmem>>) target_semaphore(%arg10 : memref<!tpu.dma_semaphore, #tpu.memory_space<semaphore_mem>>)
    %dma_wait3A_47 = tpu.memref_slice %arg2[%add3A_26] : memref<12800000xi32, #tpu.memory_space<hbm>> -> memref<8000xi32, #tpu.memory_space<hbm>>
    %dma_wait3A_48 = tpu.memref_slice %arg2[%add3A_26] : memref<12800000xi32, #tpu.memory_space<hbm>> -> memref<8000xi32, #tpu.memory_space<hbm>>
    tpu.wait_dma2 semaphore(%arg8 : memref<!tpu.dma_semaphore, #tpu.memory_space<semaphore_mem>>) src(%dma_wait3A_48 : memref<8000xi32, #tpu.memory_space<hbm>>) dst(%arg4 : memref<8000xi32, #tpu.memory_space<vmem>>)
    %parallel_loop3A_49 = arith.constant 0 : i32
    %parallel_loop3A_50 = arith.constant 500 : i32
    %parallel_loop3A_51 = arith.constant 1 : i32
    scf.for %parallel_loop3A_235 = %parallel_loop3A_49 to %parallel_loop3A_50 step %parallel_loop3A_51  : i32 {
      %parallel_loop3A_236 = arith.constant 16 : i32
      %parallel_loop3A_237 = arith.muli %parallel_loop3A_235, %parallel_loop3A_236 : i32
      %parallel_loop3A_238 = arith.index_cast %parallel_loop3A_237 : i32 to index
      %parallel_loop3A_239 = tpu.vector_load %arg4[%parallel_loop3A_238] {strides = array<i32>} : memref<8000xi32, #tpu.memory_space<vmem>>, vector<16xi32>,
      tpu.vector_store_idx %arg7[%parallel_loop3A_239], %broadcast_in_dim3A_20 {add = true} : memref<100000xf32, #tpu.memory_space<vmem>>[vector<16xi32>], vector<16xf32>,
    } {sc.loop_unroll_factor = 8 : i64, sc.parallel_access}
    %add3A_52 = arith.constant 48000 : i32
    %add3A_53 = arith.addi %add3A_4, %add3A_52 : i32
    %dma_start3A_54 = tpu.memref_slice %arg2[%add3A_53] : memref<12800000xi32, #tpu.memory_space<hbm>> -> memref<8000xi32, #tpu.memory_space<hbm>>
    %dma_start3A_55 = tpu.memref_slice %arg2[%add3A_53] : memref<12800000xi32, #tpu.memory_space<hbm>> -> memref<8000xi32, #tpu.memory_space<hbm>>
    tpu.enqueue_dma source(%dma_start3A_55 : memref<8000xi32, #tpu.memory_space<hbm>>) target(%arg4 : memref<8000xi32, #tpu.memory_space<vmem>>) target_semaphore(%arg8 : memref<!tpu.dma_semaphore, #tpu.memory_space<semaphore_mem>>)
    %dma_wait3A_56 = tpu.memref_slice %arg2[%add3A_35] : memref<12800000xi32, #tpu.memory_space<hbm>> -> memref<8000xi32, #tpu.memory_space<hbm>>
    %dma_wait3A_57 = tpu.memref_slice %arg2[%add3A_35] : memref<12800000xi32, #tpu.memory_space<hbm>> -> memref<8000xi32, #tpu.memory_space<hbm>>
    tpu.wait_dma2 semaphore(%arg9 : memref<!tpu.dma_semaphore, #tpu.memory_space<semaphore_mem>>) src(%dma_wait3A_57 : memref<8000xi32, #tpu.memory_space<hbm>>) dst(%arg5 : memref<8000xi32, #tpu.memory_space<vmem>>)
    %parallel_loop3A_58 = arith.constant 0 : i32
    %parallel_loop3A_59 = arith.constant 500 : i32
    %parallel_loop3A_60 = arith.constant 1 : i32
    scf.for %parallel_loop3A_235 = %parallel_loop3A_58 to %parallel_loop3A_59 step %parallel_loop3A_60  : i32 {
      %parallel_loop3A_236 = arith.constant 16 : i32
      %parallel_loop3A_237 = arith.muli %parallel_loop3A_235, %parallel_loop3A_236 : i32
      %parallel_loop3A_238 = arith.index_cast %parallel_loop3A_237 : i32 to index
      %parallel_loop3A_239 = tpu.vector_load %arg5[%parallel_loop3A_238] {strides = array<i32>} : memref<8000xi32, #tpu.memory_space<vmem>>, vector<16xi32>,
      tpu.vector_store_idx %arg7[%parallel_loop3A_239], %broadcast_in_dim3A_20 {add = true} : memref<100000xf32, #tpu.memory_space<vmem>>[vector<16xi32>], vector<16xf32>,
    } {sc.loop_unroll_factor = 8 : i64, sc.parallel_access}
    %add3A_61 = arith.constant 56000 : i32
    %add3A_62 = arith.addi %add3A_4, %add3A_61 : i32
    %dma_start3A_63 = tpu.memref_slice %arg2[%add3A_62] : memref<12800000xi32, #tpu.memory_space<hbm>> -> memref<8000xi32, #tpu.memory_space<hbm>>
    %dma_start3A_64 = tpu.memref_slice %arg2[%add3A_62] : memref<12800000xi32, #tpu.memory_space<hbm>> -> memref<8000xi32, #tpu.memory_space<hbm>>
    tpu.enqueue_dma source(%dma_start3A_64 : memref<8000xi32, #tpu.memory_space<hbm>>) target(%arg5 : memref<8000xi32, #tpu.memory_space<vmem>>) target_semaphore(%arg9 : memref<!tpu.dma_semaphore, #tpu.memory_space<semaphore_mem>>)
    %dma_wait3A_65 = tpu.memref_slice %arg2[%add3A_44] : memref<12800000xi32, #tpu.memory_space<hbm>> -> memref<8000xi32, #tpu.memory_space<hbm>>
    %dma_wait3A_66 = tpu.memref_slice %arg2[%add3A_44] : memref<12800000xi32, #tpu.memory_space<hbm>> -> memref<8000xi32, #tpu.memory_space<hbm>>
    tpu.wait_dma2 semaphore(%arg10 : memref<!tpu.dma_semaphore, #tpu.memory_space<semaphore_mem>>) src(%dma_wait3A_66 : memref<8000xi32, #tpu.memory_space<hbm>>) dst(%arg6 : memref<8000xi32, #tpu.memory_space<vmem>>)
    %parallel_loop3A_67 = arith.constant 0 : i32
    %parallel_loop3A_68 = arith.constant 500 : i32
    %parallel_loop3A_69 = arith.constant 1 : i32
    scf.for %parallel_loop3A_235 = %parallel_loop3A_67 to %parallel_loop3A_68 step %parallel_loop3A_69  : i32 {
      %parallel_loop3A_236 = arith.constant 16 : i32
      %parallel_loop3A_237 = arith.muli %parallel_loop3A_235, %parallel_loop3A_236 : i32
      %parallel_loop3A_238 = arith.index_cast %parallel_loop3A_237 : i32 to index
      %parallel_loop3A_239 = tpu.vector_load %arg6[%parallel_loop3A_238] {strides = array<i32>} : memref<8000xi32, #tpu.memory_space<vmem>>, vector<16xi32>,
      tpu.vector_store_idx %arg7[%parallel_loop3A_239], %broadcast_in_dim3A_20 {add = true} : memref<100000xf32, #tpu.memory_space<vmem>>[vector<16xi32>], vector<16xf32>,
    } {sc.loop_unroll_factor = 8 : i64, sc.parallel_access}
    %add3A_70 = arith.constant 64000 : i32
    %add3A_71 = arith.addi %add3A_4, %add3A_70 : i32
    %dma_start3A_72 = tpu.memref_slice %arg2[%add3A_71] : memref<12800000xi32, #tpu.memory_space<hbm>> -> memref<8000xi32, #tpu.memory_space<hbm>>
    %dma_start3A_73 = tpu.memref_slice %arg2[%add3A_71] : memref<12800000xi32, #tpu.memory_space<hbm>> -> memref<8000xi32, #tpu.memory_space<hbm>>
    tpu.enqueue_dma source(%dma_start3A_73 : memref<8000xi32, #tpu.memory_space<hbm>>) target(%arg6 : memref<8000xi32, #tpu.memory_space<vmem>>) target_semaphore(%arg10 : memref<!tpu.dma_semaphore, #tpu.memory_space<semaphore_mem>>)
    %dma_wait3A_74 = tpu.memref_slice %arg2[%add3A_53] : memref<12800000xi32, #tpu.memory_space<hbm>> -> memref<8000xi32, #tpu.memory_space<hbm>>
    %dma_wait3A_75 = tpu.memref_slice %arg2[%add3A_53] : memref<12800000xi32, #tpu.memory_space<hbm>> -> memref<8000xi32, #tpu.memory_space<hbm>>
    tpu.wait_dma2 semaphore(%arg8 : memref<!tpu.dma_semaphore, #tpu.memory_space<semaphore_mem>>) src(%dma_wait3A_75 : memref<8000xi32, #tpu.memory_space<hbm>>) dst(%arg4 : memref<8000xi32, #tpu.memory_space<vmem>>)
    %parallel_loop3A_76 = arith.constant 0 : i32
    %parallel_loop3A_77 = arith.constant 500 : i32
    %parallel_loop3A_78 = arith.constant 1 : i32
    scf.for %parallel_loop3A_235 = %parallel_loop3A_76 to %parallel_loop3A_77 step %parallel_loop3A_78  : i32 {
      %parallel_loop3A_236 = arith.constant 16 : i32
      %parallel_loop3A_237 = arith.muli %parallel_loop3A_235, %parallel_loop3A_236 : i32
      %parallel_loop3A_238 = arith.index_cast %parallel_loop3A_237 : i32 to index
      %parallel_loop3A_239 = tpu.vector_load %arg4[%parallel_loop3A_238] {strides = array<i32>} : memref<8000xi32, #tpu.memory_space<vmem>>, vector<16xi32>,
      tpu.vector_store_idx %arg7[%parallel_loop3A_239], %broadcast_in_dim3A_20 {add = true} : memref<100000xf32, #tpu.memory_space<vmem>>[vector<16xi32>], vector<16xf32>,
    } {sc.loop_unroll_factor = 8 : i64, sc.parallel_access}
    %add3A_79 = arith.constant 72000 : i32
    %add3A_80 = arith.addi %add3A_4, %add3A_79 : i32
    %dma_start3A_81 = tpu.memref_slice %arg2[%add3A_80] : memref<12800000xi32, #tpu.memory_space<hbm>> -> memref<8000xi32, #tpu.memory_space<hbm>>
    %dma_start3A_82 = tpu.memref_slice %arg2[%add3A_80] : memref<12800000xi32, #tpu.memory_space<hbm>> -> memref<8000xi32, #tpu.memory_space<hbm>>
    tpu.enqueue_dma source(%dma_start3A_82 : memref<8000xi32, #tpu.memory_space<hbm>>) target(%arg4 : memref<8000xi32, #tpu.memory_space<vmem>>) target_semaphore(%arg8 : memref<!tpu.dma_semaphore, #tpu.memory_space<semaphore_mem>>)
    %dma_wait3A_83 = tpu.memref_slice %arg2[%add3A_62] : memref<12800000xi32, #tpu.memory_space<hbm>> -> memref<8000xi32, #tpu.memory_space<hbm>>
    %dma_wait3A_84 = tpu.memref_slice %arg2[%add3A_62] : memref<12800000xi32, #tpu.memory_space<hbm>> -> memref<8000xi32, #tpu.memory_space<hbm>>
    tpu.wait_dma2 semaphore(%arg9 : memref<!tpu.dma_semaphore, #tpu.memory_space<semaphore_mem>>) src(%dma_wait3A_84 : memref<8000xi32, #tpu.memory_space<hbm>>) dst(%arg5 : memref<8000xi32, #tpu.memory_space<vmem>>)
    %parallel_loop3A_85 = arith.constant 0 : i32
    %parallel_loop3A_86 = arith.constant 500 : i32
    %parallel_loop3A_87 = arith.constant 1 : i32
    scf.for %parallel_loop3A_235 = %parallel_loop3A_85 to %parallel_loop3A_86 step %parallel_loop3A_87  : i32 {
      %parallel_loop3A_236 = arith.constant 16 : i32
      %parallel_loop3A_237 = arith.muli %parallel_loop3A_235, %parallel_loop3A_236 : i32
      %parallel_loop3A_238 = arith.index_cast %parallel_loop3A_237 : i32 to index
      %parallel_loop3A_239 = tpu.vector_load %arg5[%parallel_loop3A_238] {strides = array<i32>} : memref<8000xi32, #tpu.memory_space<vmem>>, vector<16xi32>,
      tpu.vector_store_idx %arg7[%parallel_loop3A_239], %broadcast_in_dim3A_20 {add = true} : memref<100000xf32, #tpu.memory_space<vmem>>[vector<16xi32>], vector<16xf32>,
    } {sc.loop_unroll_factor = 8 : i64, sc.parallel_access}
    %add3A_88 = arith.constant 80000 : i32
    %add3A_89 = arith.addi %add3A_4, %add3A_88 : i32
    %dma_start3A_90 = tpu.memref_slice %arg2[%add3A_89] : memref<12800000xi32, #tpu.memory_space<hbm>> -> memref<8000xi32, #tpu.memory_space<hbm>>
    %dma_start3A_91 = tpu.memref_slice %arg2[%add3A_89] : memref<12800000xi32, #tpu.memory_space<hbm>> -> memref<8000xi32, #tpu.memory_space<hbm>>
    tpu.enqueue_dma source(%dma_start3A_91 : memref<8000xi32, #tpu.memory_space<hbm>>) target(%arg5 : memref<8000xi32, #tpu.memory_space<vmem>>) target_semaphore(%arg9 : memref<!tpu.dma_semaphore, #tpu.memory_space<semaphore_mem>>)
    %dma_wait3A_92 = tpu.memref_slice %arg2[%add3A_71] : memref<12800000xi32, #tpu.memory_space<hbm>> -> memref<8000xi32, #tpu.memory_space<hbm>>
    %dma_wait3A_93 = tpu.memref_slice %arg2[%add3A_71] : memref<12800000xi32, #tpu.memory_space<hbm>> -> memref<8000xi32, #tpu.memory_space<hbm>>
    tpu.wait_dma2 semaphore(%arg10 : memref<!tpu.dma_semaphore, #tpu.memory_space<semaphore_mem>>) src(%dma_wait3A_93 : memref<8000xi32, #tpu.memory_space<hbm>>) dst(%arg6 : memref<8000xi32, #tpu.memory_space<vmem>>)
    %parallel_loop3A_94 = arith.constant 0 : i32
    %parallel_loop3A_95 = arith.constant 500 : i32
    %parallel_loop3A_96 = arith.constant 1 : i32
    scf.for %parallel_loop3A_235 = %parallel_loop3A_94 to %parallel_loop3A_95 step %parallel_loop3A_96  : i32 {
      %parallel_loop3A_236 = arith.constant 16 : i32
      %parallel_loop3A_237 = arith.muli %parallel_loop3A_235, %parallel_loop3A_236 : i32
      %parallel_loop3A_238 = arith.index_cast %parallel_loop3A_237 : i32 to index
      %parallel_loop3A_239 = tpu.vector_load %arg6[%parallel_loop3A_238] {strides = array<i32>} : memref<8000xi32, #tpu.memory_space<vmem>>, vector<16xi32>,
      tpu.vector_store_idx %arg7[%parallel_loop3A_239], %broadcast_in_dim3A_20 {add = true} : memref<100000xf32, #tpu.memory_space<vmem>>[vector<16xi32>], vector<16xf32>,
    } {sc.loop_unroll_factor = 8 : i64, sc.parallel_access}
    %add3A_97 = arith.constant 88000 : i32
    %add3A_98 = arith.addi %add3A_4, %add3A_97 : i32
    %dma_start3A_99 = tpu.memref_slice %arg2[%add3A_98] : memref<12800000xi32, #tpu.memory_space<hbm>> -> memref<8000xi32, #tpu.memory_space<hbm>>
    %dma_start3A_100 = tpu.memref_slice %arg2[%add3A_98] : memref<12800000xi32, #tpu.memory_space<hbm>> -> memref<8000xi32, #tpu.memory_space<hbm>>
    tpu.enqueue_dma source(%dma_start3A_100 : memref<8000xi32, #tpu.memory_space<hbm>>) target(%arg6 : memref<8000xi32, #tpu.memory_space<vmem>>) target_semaphore(%arg10 : memref<!tpu.dma_semaphore, #tpu.memory_space<semaphore_mem>>)
    %dma_wait3A_101 = tpu.memref_slice %arg2[%add3A_80] : memref<12800000xi32, #tpu.memory_space<hbm>> -> memref<8000xi32, #tpu.memory_space<hbm>>
    %dma_wait3A_102 = tpu.memref_slice %arg2[%add3A_80] : memref<12800000xi32, #tpu.memory_space<hbm>> -> memref<8000xi32, #tpu.memory_space<hbm>>
    tpu.wait_dma2 semaphore(%arg8 : memref<!tpu.dma_semaphore, #tpu.memory_space<semaphore_mem>>) src(%dma_wait3A_102 : memref<8000xi32, #tpu.memory_space<hbm>>) dst(%arg4 : memref<8000xi32, #tpu.memory_space<vmem>>)
    %parallel_loop3A_103 = arith.constant 0 : i32
    %parallel_loop3A_104 = arith.constant 500 : i32
    %parallel_loop3A_105 = arith.constant 1 : i32
    scf.for %parallel_loop3A_235 = %parallel_loop3A_103 to %parallel_loop3A_104 step %parallel_loop3A_105  : i32 {
      %parallel_loop3A_236 = arith.constant 16 : i32
      %parallel_loop3A_237 = arith.muli %parallel_loop3A_235, %parallel_loop3A_236 : i32
      %parallel_loop3A_238 = arith.index_cast %parallel_loop3A_237 : i32 to index
      %parallel_loop3A_239 = tpu.vector_load %arg4[%parallel_loop3A_238] {strides = array<i32>} : memref<8000xi32, #tpu.memory_space<vmem>>, vector<16xi32>,
      tpu.vector_store_idx %arg7[%parallel_loop3A_239], %broadcast_in_dim3A_20 {add = true} : memref<100000xf32, #tpu.memory_space<vmem>>[vector<16xi32>], vector<16xf32>,
    } {sc.loop_unroll_factor = 8 : i64, sc.parallel_access}
    %add3A_106 = arith.constant 96000 : i32
    %add3A_107 = arith.addi %add3A_4, %add3A_106 : i32
    %dma_start3A_108 = tpu.memref_slice %arg2[%add3A_107] : memref<12800000xi32, #tpu.memory_space<hbm>> -> memref<8000xi32, #tpu.memory_space<hbm>>
    %dma_start3A_109 = tpu.memref_slice %arg2[%add3A_107] : memref<12800000xi32, #tpu.memory_space<hbm>> -> memref<8000xi32, #tpu.memory_space<hbm>>
    tpu.enqueue_dma source(%dma_start3A_109 : memref<8000xi32, #tpu.memory_space<hbm>>) target(%arg4 : memref<8000xi32, #tpu.memory_space<vmem>>) target_semaphore(%arg8 : memref<!tpu.dma_semaphore, #tpu.memory_space<semaphore_mem>>)
    %dma_wait3A_110 = tpu.memref_slice %arg2[%add3A_89] : memref<12800000xi32, #tpu.memory_space<hbm>> -> memref<8000xi32, #tpu.memory_space<hbm>>
    %dma_wait3A_111 = tpu.memref_slice %arg2[%add3A_89] : memref<12800000xi32, #tpu.memory_space<hbm>> -> memref<8000xi32, #tpu.memory_space<hbm>>
    tpu.wait_dma2 semaphore(%arg9 : memref<!tpu.dma_semaphore, #tpu.memory_space<semaphore_mem>>) src(%dma_wait3A_111 : memref<8000xi32, #tpu.memory_space<hbm>>) dst(%arg5 : memref<8000xi32, #tpu.memory_space<vmem>>)
    %parallel_loop3A_112 = arith.constant 0 : i32
    %parallel_loop3A_113 = arith.constant 500 : i32
    %parallel_loop3A_114 = arith.constant 1 : i32
    scf.for %parallel_loop3A_235 = %parallel_loop3A_112 to %parallel_loop3A_113 step %parallel_loop3A_114  : i32 {
      %parallel_loop3A_236 = arith.constant 16 : i32
      %parallel_loop3A_237 = arith.muli %parallel_loop3A_235, %parallel_loop3A_236 : i32
      %parallel_loop3A_238 = arith.index_cast %parallel_loop3A_237 : i32 to index
      %parallel_loop3A_239 = tpu.vector_load %arg5[%parallel_loop3A_238] {strides = array<i32>} : memref<8000xi32, #tpu.memory_space<vmem>>, vector<16xi32>,
      tpu.vector_store_idx %arg7[%parallel_loop3A_239], %broadcast_in_dim3A_20 {add = true} : memref<100000xf32, #tpu.memory_space<vmem>>[vector<16xi32>], vector<16xf32>,
    } {sc.loop_unroll_factor = 8 : i64, sc.parallel_access}
    %add3A_115 = arith.constant 104000 : i32
    %add3A_116 = arith.addi %add3A_4, %add3A_115 : i32
    %dma_start3A_117 = tpu.memref_slice %arg2[%add3A_116] : memref<12800000xi32, #tpu.memory_space<hbm>> -> memref<8000xi32, #tpu.memory_space<hbm>>
    %dma_start3A_118 = tpu.memref_slice %arg2[%add3A_116] : memref<12800000xi32, #tpu.memory_space<hbm>> -> memref<8000xi32, #tpu.memory_space<hbm>>
    tpu.enqueue_dma source(%dma_start3A_118 : memref<8000xi32, #tpu.memory_space<hbm>>) target(%arg5 : memref<8000xi32, #tpu.memory_space<vmem>>) target_semaphore(%arg9 : memref<!tpu.dma_semaphore, #tpu.memory_space<semaphore_mem>>)
    %dma_wait3A_119 = tpu.memref_slice %arg2[%add3A_98] : memref<12800000xi32, #tpu.memory_space<hbm>> -> memref<8000xi32, #tpu.memory_space<hbm>>
    %dma_wait3A_120 = tpu.memref_slice %arg2[%add3A_98] : memref<12800000xi32, #tpu.memory_space<hbm>> -> memref<8000xi32, #tpu.memory_space<hbm>>
    tpu.wait_dma2 semaphore(%arg10 : memref<!tpu.dma_semaphore, #tpu.memory_space<semaphore_mem>>) src(%dma_wait3A_120 : memref<8000xi32, #tpu.memory_space<hbm>>) dst(%arg6 : memref<8000xi32, #tpu.memory_space<vmem>>)
    %parallel_loop3A_121 = arith.constant 0 : i32
    %parallel_loop3A_122 = arith.constant 500 : i32
    %parallel_loop3A_123 = arith.constant 1 : i32
    scf.for %parallel_loop3A_235 = %parallel_loop3A_121 to %parallel_loop3A_122 step %parallel_loop3A_123  : i32 {
      %parallel_loop3A_236 = arith.constant 16 : i32
      %parallel_loop3A_237 = arith.muli %parallel_loop3A_235, %parallel_loop3A_236 : i32
      %parallel_loop3A_238 = arith.index_cast %parallel_loop3A_237 : i32 to index
      %parallel_loop3A_239 = tpu.vector_load %arg6[%parallel_loop3A_238] {strides = array<i32>} : memref<8000xi32, #tpu.memory_space<vmem>>, vector<16xi32>,
      tpu.vector_store_idx %arg7[%parallel_loop3A_239], %broadcast_in_dim3A_20 {add = true} : memref<100000xf32, #tpu.memory_space<vmem>>[vector<16xi32>], vector<16xf32>,
    } {sc.loop_unroll_factor = 8 : i64, sc.parallel_access}
    %add3A_124 = arith.constant 112000 : i32
    %add3A_125 = arith.addi %add3A_4, %add3A_124 : i32
    %dma_start3A_126 = tpu.memref_slice %arg2[%add3A_125] : memref<12800000xi32, #tpu.memory_space<hbm>> -> memref<8000xi32, #tpu.memory_space<hbm>>
    %dma_start3A_127 = tpu.memref_slice %arg2[%add3A_125] : memref<12800000xi32, #tpu.memory_space<hbm>> -> memref<8000xi32, #tpu.memory_space<hbm>>
    tpu.enqueue_dma source(%dma_start3A_127 : memref<8000xi32, #tpu.memory_space<hbm>>) target(%arg6 : memref<8000xi32, #tpu.memory_space<vmem>>) target_semaphore(%arg10 : memref<!tpu.dma_semaphore, #tpu.memory_space<semaphore_mem>>)
    %dma_wait3A_128 = tpu.memref_slice %arg2[%add3A_107] : memref<12800000xi32, #tpu.memory_space<hbm>> -> memref<8000xi32, #tpu.memory_space<hbm>>
    %dma_wait3A_129 = tpu.memref_slice %arg2[%add3A_107] : memref<12800000xi32, #tpu.memory_space<hbm>> -> memref<8000xi32, #tpu.memory_space<hbm>>
    tpu.wait_dma2 semaphore(%arg8 : memref<!tpu.dma_semaphore, #tpu.memory_space<semaphore_mem>>) src(%dma_wait3A_129 : memref<8000xi32, #tpu.memory_space<hbm>>) dst(%arg4 : memref<8000xi32, #tpu.memory_space<vmem>>)
    %parallel_loop3A_130 = arith.constant 0 : i32
    %parallel_loop3A_131 = arith.constant 500 : i32
    %parallel_loop3A_132 = arith.constant 1 : i32
    scf.for %parallel_loop3A_235 = %parallel_loop3A_130 to %parallel_loop3A_131 step %parallel_loop3A_132  : i32 {
      %parallel_loop3A_236 = arith.constant 16 : i32
      %parallel_loop3A_237 = arith.muli %parallel_loop3A_235, %parallel_loop3A_236 : i32
      %parallel_loop3A_238 = arith.index_cast %parallel_loop3A_237 : i32 to index
      %parallel_loop3A_239 = tpu.vector_load %arg4[%parallel_loop3A_238] {strides = array<i32>} : memref<8000xi32, #tpu.memory_space<vmem>>, vector<16xi32>,
      tpu.vector_store_idx %arg7[%parallel_loop3A_239], %broadcast_in_dim3A_20 {add = true} : memref<100000xf32, #tpu.memory_space<vmem>>[vector<16xi32>], vector<16xf32>,
    } {sc.loop_unroll_factor = 8 : i64, sc.parallel_access}
    %add3A_133 = arith.constant 120000 : i32
    %add3A_134 = arith.addi %add3A_4, %add3A_133 : i32
    %dma_start3A_135 = tpu.memref_slice %arg2[%add3A_134] : memref<12800000xi32, #tpu.memory_space<hbm>> -> memref<8000xi32, #tpu.memory_space<hbm>>
    %dma_start3A_136 = tpu.memref_slice %arg2[%add3A_134] : memref<12800000xi32, #tpu.memory_space<hbm>> -> memref<8000xi32, #tpu.memory_space<hbm>>
    tpu.enqueue_dma source(%dma_start3A_136 : memref<8000xi32, #tpu.memory_space<hbm>>) target(%arg4 : memref<8000xi32, #tpu.memory_space<vmem>>) target_semaphore(%arg8 : memref<!tpu.dma_semaphore, #tpu.memory_space<semaphore_mem>>)
    %dma_wait3A_137 = tpu.memref_slice %arg2[%add3A_116] : memref<12800000xi32, #tpu.memory_space<hbm>> -> memref<8000xi32, #tpu.memory_space<hbm>>
    %dma_wait3A_138 = tpu.memref_slice %arg2[%add3A_116] : memref<12800000xi32, #tpu.memory_space<hbm>> -> memref<8000xi32, #tpu.memory_space<hbm>>
    tpu.wait_dma2 semaphore(%arg9 : memref<!tpu.dma_semaphore, #tpu.memory_space<semaphore_mem>>) src(%dma_wait3A_138 : memref<8000xi32, #tpu.memory_space<hbm>>) dst(%arg5 : memref<8000xi32, #tpu.memory_space<vmem>>)
    %parallel_loop3A_139 = arith.constant 0 : i32
    %parallel_loop3A_140 = arith.constant 500 : i32
    %parallel_loop3A_141 = arith.constant 1 : i32
    scf.for %parallel_loop3A_235 = %parallel_loop3A_139 to %parallel_loop3A_140 step %parallel_loop3A_141  : i32 {
      %parallel_loop3A_236 = arith.constant 16 : i32
      %parallel_loop3A_237 = arith.muli %parallel_loop3A_235, %parallel_loop3A_236 : i32
      %parallel_loop3A_238 = arith.index_cast %parallel_loop3A_237 : i32 to index
      %parallel_loop3A_239 = tpu.vector_load %arg5[%parallel_loop3A_238] {strides = array<i32>} : memref<8000xi32, #tpu.memory_space<vmem>>, vector<16xi32>,
      tpu.vector_store_idx %arg7[%parallel_loop3A_239], %broadcast_in_dim3A_20 {add = true} : memref<100000xf32, #tpu.memory_space<vmem>>[vector<16xi32>], vector<16xf32>,
    } {sc.loop_unroll_factor = 8 : i64, sc.parallel_access}
    %add3A_142 = arith.constant 128000 : i32
    %add3A_143 = arith.addi %add3A_4, %add3A_142 : i32
    %dma_start3A_144 = tpu.memref_slice %arg2[%add3A_143] : memref<12800000xi32, #tpu.memory_space<hbm>> -> memref<8000xi32, #tpu.memory_space<hbm>>
    %dma_start3A_145 = tpu.memref_slice %arg2[%add3A_143] : memref<12800000xi32, #tpu.memory_space<hbm>> -> memref<8000xi32, #tpu.memory_space<hbm>>
    tpu.enqueue_dma source(%dma_start3A_145 : memref<8000xi32, #tpu.memory_space<hbm>>) target(%arg5 : memref<8000xi32, #tpu.memory_space<vmem>>) target_semaphore(%arg9 : memref<!tpu.dma_semaphore, #tpu.memory_space<semaphore_mem>>)
    %dma_wait3A_146 = tpu.memref_slice %arg2[%add3A_125] : memref<12800000xi32, #tpu.memory_space<hbm>> -> memref<8000xi32, #tpu.memory_space<hbm>>
    %dma_wait3A_147 = tpu.memref_slice %arg2[%add3A_125] : memref<12800000xi32, #tpu.memory_space<hbm>> -> memref<8000xi32, #tpu.memory_space<hbm>>
    tpu.wait_dma2 semaphore(%arg10 : memref<!tpu.dma_semaphore, #tpu.memory_space<semaphore_mem>>) src(%dma_wait3A_147 : memref<8000xi32, #tpu.memory_space<hbm>>) dst(%arg6 : memref<8000xi32, #tpu.memory_space<vmem>>)
    %parallel_loop3A_148 = arith.constant 0 : i32
    %parallel_loop3A_149 = arith.constant 500 : i32
    %parallel_loop3A_150 = arith.constant 1 : i32
    scf.for %parallel_loop3A_235 = %parallel_loop3A_148 to %parallel_loop3A_149 step %parallel_loop3A_150  : i32 {
      %parallel_loop3A_236 = arith.constant 16 : i32
      %parallel_loop3A_237 = arith.muli %parallel_loop3A_235, %parallel_loop3A_236 : i32
      %parallel_loop3A_238 = arith.index_cast %parallel_loop3A_237 : i32 to index
      %parallel_loop3A_239 = tpu.vector_load %arg6[%parallel_loop3A_238] {strides = array<i32>} : memref<8000xi32, #tpu.memory_space<vmem>>, vector<16xi32>,
      tpu.vector_store_idx %arg7[%parallel_loop3A_239], %broadcast_in_dim3A_20 {add = true} : memref<100000xf32, #tpu.memory_space<vmem>>[vector<16xi32>], vector<16xf32>,
    } {sc.loop_unroll_factor = 8 : i64, sc.parallel_access}
    %add3A_151 = arith.constant 136000 : i32
    %add3A_152 = arith.addi %add3A_4, %add3A_151 : i32
    %dma_start3A_153 = tpu.memref_slice %arg2[%add3A_152] : memref<12800000xi32, #tpu.memory_space<hbm>> -> memref<8000xi32, #tpu.memory_space<hbm>>
    %dma_start3A_154 = tpu.memref_slice %arg2[%add3A_152] : memref<12800000xi32, #tpu.memory_space<hbm>> -> memref<8000xi32, #tpu.memory_space<hbm>>
    tpu.enqueue_dma source(%dma_start3A_154 : memref<8000xi32, #tpu.memory_space<hbm>>) target(%arg6 : memref<8000xi32, #tpu.memory_space<vmem>>) target_semaphore(%arg10 : memref<!tpu.dma_semaphore, #tpu.memory_space<semaphore_mem>>)
    %dma_wait3A_155 = tpu.memref_slice %arg2[%add3A_134] : memref<12800000xi32, #tpu.memory_space<hbm>> -> memref<8000xi32, #tpu.memory_space<hbm>>
    %dma_wait3A_156 = tpu.memref_slice %arg2[%add3A_134] : memref<12800000xi32, #tpu.memory_space<hbm>> -> memref<8000xi32, #tpu.memory_space<hbm>>
    tpu.wait_dma2 semaphore(%arg8 : memref<!tpu.dma_semaphore, #tpu.memory_space<semaphore_mem>>) src(%dma_wait3A_156 : memref<8000xi32, #tpu.memory_space<hbm>>) dst(%arg4 : memref<8000xi32, #tpu.memory_space<vmem>>)
    %parallel_loop3A_157 = arith.constant 0 : i32
    %parallel_loop3A_158 = arith.constant 500 : i32
    %parallel_loop3A_159 = arith.constant 1 : i32
    scf.for %parallel_loop3A_235 = %parallel_loop3A_157 to %parallel_loop3A_158 step %parallel_loop3A_159  : i32 {
      %parallel_loop3A_236 = arith.constant 16 : i32
      %parallel_loop3A_237 = arith.muli %parallel_loop3A_235, %parallel_loop3A_236 : i32
      %parallel_loop3A_238 = arith.index_cast %parallel_loop3A_237 : i32 to index
      %parallel_loop3A_239 = tpu.vector_load %arg4[%parallel_loop3A_238] {strides = array<i32>} : memref<8000xi32, #tpu.memory_space<vmem>>, vector<16xi32>,
      tpu.vector_store_idx %arg7[%parallel_loop3A_239], %broadcast_in_dim3A_20 {add = true} : memref<100000xf32, #tpu.memory_space<vmem>>[vector<16xi32>], vector<16xf32>,
    } {sc.loop_unroll_factor = 8 : i64, sc.parallel_access}
    %add3A_160 = arith.constant 144000 : i32
    %add3A_161 = arith.addi %add3A_4, %add3A_160 : i32
    %dma_start3A_162 = tpu.memref_slice %arg2[%add3A_161] : memref<12800000xi32, #tpu.memory_space<hbm>> -> memref<8000xi32, #tpu.memory_space<hbm>>
    %dma_start3A_163 = tpu.memref_slice %arg2[%add3A_161] : memref<12800000xi32, #tpu.memory_space<hbm>> -> memref<8000xi32, #tpu.memory_space<hbm>>
    tpu.enqueue_dma source(%dma_start3A_163 : memref<8000xi32, #tpu.memory_space<hbm>>) target(%arg4 : memref<8000xi32, #tpu.memory_space<vmem>>) target_semaphore(%arg8 : memref<!tpu.dma_semaphore, #tpu.memory_space<semaphore_mem>>)
    %dma_wait3A_164 = tpu.memref_slice %arg2[%add3A_143] : memref<12800000xi32, #tpu.memory_space<hbm>> -> memref<8000xi32, #tpu.memory_space<hbm>>
    %dma_wait3A_165 = tpu.memref_slice %arg2[%add3A_143] : memref<12800000xi32, #tpu.memory_space<hbm>> -> memref<8000xi32, #tpu.memory_space<hbm>>
    tpu.wait_dma2 semaphore(%arg9 : memref<!tpu.dma_semaphore, #tpu.memory_space<semaphore_mem>>) src(%dma_wait3A_165 : memref<8000xi32, #tpu.memory_space<hbm>>) dst(%arg5 : memref<8000xi32, #tpu.memory_space<vmem>>)
    %parallel_loop3A_166 = arith.constant 0 : i32
    %parallel_loop3A_167 = arith.constant 500 : i32
    %parallel_loop3A_168 = arith.constant 1 : i32
    scf.for %parallel_loop3A_235 = %parallel_loop3A_166 to %parallel_loop3A_167 step %parallel_loop3A_168  : i32 {
      %parallel_loop3A_236 = arith.constant 16 : i32
      %parallel_loop3A_237 = arith.muli %parallel_loop3A_235, %parallel_loop3A_236 : i32
      %parallel_loop3A_238 = arith.index_cast %parallel_loop3A_237 : i32 to index
      %parallel_loop3A_239 = tpu.vector_load %arg5[%parallel_loop3A_238] {strides = array<i32>} : memref<8000xi32, #tpu.memory_space<vmem>>, vector<16xi32>,
      tpu.vector_store_idx %arg7[%parallel_loop3A_239], %broadcast_in_dim3A_20 {add = true} : memref<100000xf32, #tpu.memory_space<vmem>>[vector<16xi32>], vector<16xf32>,
    } {sc.loop_unroll_factor = 8 : i64, sc.parallel_access}
    %add3A_169 = arith.constant 152000 : i32
    %add3A_170 = arith.addi %add3A_4, %add3A_169 : i32
    %dma_start3A_171 = tpu.memref_slice %arg2[%add3A_170] : memref<12800000xi32, #tpu.memory_space<hbm>> -> memref<8000xi32, #tpu.memory_space<hbm>>
    %dma_start3A_172 = tpu.memref_slice %arg2[%add3A_170] : memref<12800000xi32, #tpu.memory_space<hbm>> -> memref<8000xi32, #tpu.memory_space<hbm>>
    tpu.enqueue_dma source(%dma_start3A_172 : memref<8000xi32, #tpu.memory_space<hbm>>) target(%arg5 : memref<8000xi32, #tpu.memory_space<vmem>>) target_semaphore(%arg9 : memref<!tpu.dma_semaphore, #tpu.memory_space<semaphore_mem>>)
    %dma_wait3A_173 = tpu.memref_slice %arg2[%add3A_152] : memref<12800000xi32, #tpu.memory_space<hbm>> -> memref<8000xi32, #tpu.memory_space<hbm>>
    %dma_wait3A_174 = tpu.memref_slice %arg2[%add3A_152] : memref<12800000xi32, #tpu.memory_space<hbm>> -> memref<8000xi32, #tpu.memory_space<hbm>>
    tpu.wait_dma2 semaphore(%arg10 : memref<!tpu.dma_semaphore, #tpu.memory_space<semaphore_mem>>) src(%dma_wait3A_174 : memref<8000xi32, #tpu.memory_space<hbm>>) dst(%arg6 : memref<8000xi32, #tpu.memory_space<vmem>>)
    %parallel_loop3A_175 = arith.constant 0 : i32
    %parallel_loop3A_176 = arith.constant 500 : i32
    %parallel_loop3A_177 = arith.constant 1 : i32
    scf.for %parallel_loop3A_235 = %parallel_loop3A_175 to %parallel_loop3A_176 step %parallel_loop3A_177  : i32 {
      %parallel_loop3A_236 = arith.constant 16 : i32
      %parallel_loop3A_237 = arith.muli %parallel_loop3A_235, %parallel_loop3A_236 : i32
      %parallel_loop3A_238 = arith.index_cast %parallel_loop3A_237 : i32 to index
      %parallel_loop3A_239 = tpu.vector_load %arg6[%parallel_loop3A_238] {strides = array<i32>} : memref<8000xi32, #tpu.memory_space<vmem>>, vector<16xi32>,
      tpu.vector_store_idx %arg7[%parallel_loop3A_239], %broadcast_in_dim3A_20 {add = true} : memref<100000xf32, #tpu.memory_space<vmem>>[vector<16xi32>], vector<16xf32>,
    } {sc.loop_unroll_factor = 8 : i64, sc.parallel_access}
    %add3A_178 = arith.constant 160000 : i32
    %add3A_179 = arith.addi %add3A_4, %add3A_178 : i32
    %dma_start3A_180 = tpu.memref_slice %arg2[%add3A_179] : memref<12800000xi32, #tpu.memory_space<hbm>> -> memref<8000xi32, #tpu.memory_space<hbm>>
    %dma_start3A_181 = tpu.memref_slice %arg2[%add3A_179] : memref<12800000xi32, #tpu.memory_space<hbm>> -> memref<8000xi32, #tpu.memory_space<hbm>>
    tpu.enqueue_dma source(%dma_start3A_181 : memref<8000xi32, #tpu.memory_space<hbm>>) target(%arg6 : memref<8000xi32, #tpu.memory_space<vmem>>) target_semaphore(%arg10 : memref<!tpu.dma_semaphore, #tpu.memory_space<semaphore_mem>>)
    %dma_wait3A_182 = tpu.memref_slice %arg2[%add3A_161] : memref<12800000xi32, #tpu.memory_space<hbm>> -> memref<8000xi32, #tpu.memory_space<hbm>>
    %dma_wait3A_183 = tpu.memref_slice %arg2[%add3A_161] : memref<12800000xi32, #tpu.memory_space<hbm>> -> memref<8000xi32, #tpu.memory_space<hbm>>
    tpu.wait_dma2 semaphore(%arg8 : memref<!tpu.dma_semaphore, #tpu.memory_space<semaphore_mem>>) src(%dma_wait3A_183 : memref<8000xi32, #tpu.memory_space<hbm>>) dst(%arg4 : memref<8000xi32, #tpu.memory_space<vmem>>)
    %parallel_loop3A_184 = arith.constant 0 : i32
    %parallel_loop3A_185 = arith.constant 500 : i32
    %parallel_loop3A_186 = arith.constant 1 : i32
    scf.for %parallel_loop3A_235 = %parallel_loop3A_184 to %parallel_loop3A_185 step %parallel_loop3A_186  : i32 {
      %parallel_loop3A_236 = arith.constant 16 : i32
      %parallel_loop3A_237 = arith.muli %parallel_loop3A_235, %parallel_loop3A_236 : i32
      %parallel_loop3A_238 = arith.index_cast %parallel_loop3A_237 : i32 to index
      %parallel_loop3A_239 = tpu.vector_load %arg4[%parallel_loop3A_238] {strides = array<i32>} : memref<8000xi32, #tpu.memory_space<vmem>>, vector<16xi32>,
      tpu.vector_store_idx %arg7[%parallel_loop3A_239], %broadcast_in_dim3A_20 {add = true} : memref<100000xf32, #tpu.memory_space<vmem>>[vector<16xi32>], vector<16xf32>,
    } {sc.loop_unroll_factor = 8 : i64, sc.parallel_access}
    %add3A_187 = arith.constant 168000 : i32
    %add3A_188 = arith.addi %add3A_4, %add3A_187 : i32
    %dma_start3A_189 = tpu.memref_slice %arg2[%add3A_188] : memref<12800000xi32, #tpu.memory_space<hbm>> -> memref<8000xi32, #tpu.memory_space<hbm>>
    %dma_start3A_190 = tpu.memref_slice %arg2[%add3A_188] : memref<12800000xi32, #tpu.memory_space<hbm>> -> memref<8000xi32, #tpu.memory_space<hbm>>
    tpu.enqueue_dma source(%dma_start3A_190 : memref<8000xi32, #tpu.memory_space<hbm>>) target(%arg4 : memref<8000xi32, #tpu.memory_space<vmem>>) target_semaphore(%arg8 : memref<!tpu.dma_semaphore, #tpu.memory_space<semaphore_mem>>)
    %dma_wait3A_191 = tpu.memref_slice %arg2[%add3A_170] : memref<12800000xi32, #tpu.memory_space<hbm>> -> memref<8000xi32, #tpu.memory_space<hbm>>
    %dma_wait3A_192 = tpu.memref_slice %arg2[%add3A_170] : memref<12800000xi32, #tpu.memory_space<hbm>> -> memref<8000xi32, #tpu.memory_space<hbm>>
    tpu.wait_dma2 semaphore(%arg9 : memref<!tpu.dma_semaphore, #tpu.memory_space<semaphore_mem>>) src(%dma_wait3A_192 : memref<8000xi32, #tpu.memory_space<hbm>>) dst(%arg5 : memref<8000xi32, #tpu.memory_space<vmem>>)
    %parallel_loop3A_193 = arith.constant 0 : i32
    %parallel_loop3A_194 = arith.constant 500 : i32
    %parallel_loop3A_195 = arith.constant 1 : i32
    scf.for %parallel_loop3A_235 = %parallel_loop3A_193 to %parallel_loop3A_194 step %parallel_loop3A_195  : i32 {
      %parallel_loop3A_236 = arith.constant 16 : i32
      %parallel_loop3A_237 = arith.muli %parallel_loop3A_235, %parallel_loop3A_236 : i32
      %parallel_loop3A_238 = arith.index_cast %parallel_loop3A_237 : i32 to index
      %parallel_loop3A_239 = tpu.vector_load %arg5[%parallel_loop3A_238] {strides = array<i32>} : memref<8000xi32, #tpu.memory_space<vmem>>, vector<16xi32>,
      tpu.vector_store_idx %arg7[%parallel_loop3A_239], %broadcast_in_dim3A_20 {add = true} : memref<100000xf32, #tpu.memory_space<vmem>>[vector<16xi32>], vector<16xf32>,
    } {sc.loop_unroll_factor = 8 : i64, sc.parallel_access}
    %add3A_196 = arith.constant 176000 : i32
    %add3A_197 = arith.addi %add3A_4, %add3A_196 : i32
    %dma_start3A_198 = tpu.memref_slice %arg2[%add3A_197] : memref<12800000xi32, #tpu.memory_space<hbm>> -> memref<8000xi32, #tpu.memory_space<hbm>>
    %dma_start3A_199 = tpu.memref_slice %arg2[%add3A_197] : memref<12800000xi32, #tpu.memory_space<hbm>> -> memref<8000xi32, #tpu.memory_space<hbm>>
    tpu.enqueue_dma source(%dma_start3A_199 : memref<8000xi32, #tpu.memory_space<hbm>>) target(%arg5 : memref<8000xi32, #tpu.memory_space<vmem>>) target_semaphore(%arg9 : memref<!tpu.dma_semaphore, #tpu.memory_space<semaphore_mem>>)
    %dma_wait3A_200 = tpu.memref_slice %arg2[%add3A_179] : memref<12800000xi32, #tpu.memory_space<hbm>> -> memref<8000xi32, #tpu.memory_space<hbm>>
    %dma_wait3A_201 = tpu.memref_slice %arg2[%add3A_179] : memref<12800000xi32, #tpu.memory_space<hbm>> -> memref<8000xi32, #tpu.memory_space<hbm>>
    tpu.wait_dma2 semaphore(%arg10 : memref<!tpu.dma_semaphore, #tpu.memory_space<semaphore_mem>>) src(%dma_wait3A_201 : memref<8000xi32, #tpu.memory_space<hbm>>) dst(%arg6 : memref<8000xi32, #tpu.memory_space<vmem>>)
    %parallel_loop3A_202 = arith.constant 0 : i32
    %parallel_loop3A_203 = arith.constant 500 : i32
    %parallel_loop3A_204 = arith.constant 1 : i32
    scf.for %parallel_loop3A_235 = %parallel_loop3A_202 to %parallel_loop3A_203 step %parallel_loop3A_204  : i32 {
      %parallel_loop3A_236 = arith.constant 16 : i32
      %parallel_loop3A_237 = arith.muli %parallel_loop3A_235, %parallel_loop3A_236 : i32
      %parallel_loop3A_238 = arith.index_cast %parallel_loop3A_237 : i32 to index
      %parallel_loop3A_239 = tpu.vector_load %arg6[%parallel_loop3A_238] {strides = array<i32>} : memref<8000xi32, #tpu.memory_space<vmem>>, vector<16xi32>,
      tpu.vector_store_idx %arg7[%parallel_loop3A_239], %broadcast_in_dim3A_20 {add = true} : memref<100000xf32, #tpu.memory_space<vmem>>[vector<16xi32>], vector<16xf32>,
    } {sc.loop_unroll_factor = 8 : i64, sc.parallel_access}
    %add3A_205 = arith.constant 184000 : i32
    %add3A_206 = arith.addi %add3A_4, %add3A_205 : i32
    %dma_start3A_207 = tpu.memref_slice %arg2[%add3A_206] : memref<12800000xi32, #tpu.memory_space<hbm>> -> memref<8000xi32, #tpu.memory_space<hbm>>
    %dma_start3A_208 = tpu.memref_slice %arg2[%add3A_206] : memref<12800000xi32, #tpu.memory_space<hbm>> -> memref<8000xi32, #tpu.memory_space<hbm>>
    tpu.enqueue_dma source(%dma_start3A_208 : memref<8000xi32, #tpu.memory_space<hbm>>) target(%arg6 : memref<8000xi32, #tpu.memory_space<vmem>>) target_semaphore(%arg10 : memref<!tpu.dma_semaphore, #tpu.memory_space<semaphore_mem>>)
    %dma_wait3A_209 = tpu.memref_slice %arg2[%add3A_188] : memref<12800000xi32, #tpu.memory_space<hbm>> -> memref<8000xi32, #tpu.memory_space<hbm>>
    %dma_wait3A_210 = tpu.memref_slice %arg2[%add3A_188] : memref<12800000xi32, #tpu.memory_space<hbm>> -> memref<8000xi32, #tpu.memory_space<hbm>>
    tpu.wait_dma2 semaphore(%arg8 : memref<!tpu.dma_semaphore, #tpu.memory_space<semaphore_mem>>) src(%dma_wait3A_210 : memref<8000xi32, #tpu.memory_space<hbm>>) dst(%arg4 : memref<8000xi32, #tpu.memory_space<vmem>>)
    %parallel_loop3A_211 = arith.constant 0 : i32
    %parallel_loop3A_212 = arith.constant 500 : i32
    %parallel_loop3A_213 = arith.constant 1 : i32
    scf.for %parallel_loop3A_235 = %parallel_loop3A_211 to %parallel_loop3A_212 step %parallel_loop3A_213  : i32 {
      %parallel_loop3A_236 = arith.constant 16 : i32
      %parallel_loop3A_237 = arith.muli %parallel_loop3A_235, %parallel_loop3A_236 : i32
      %parallel_loop3A_238 = arith.index_cast %parallel_loop3A_237 : i32 to index
      %parallel_loop3A_239 = tpu.vector_load %arg4[%parallel_loop3A_238] {strides = array<i32>} : memref<8000xi32, #tpu.memory_space<vmem>>, vector<16xi32>,
      tpu.vector_store_idx %arg7[%parallel_loop3A_239], %broadcast_in_dim3A_20 {add = true} : memref<100000xf32, #tpu.memory_space<vmem>>[vector<16xi32>], vector<16xf32>,
    } {sc.loop_unroll_factor = 8 : i64, sc.parallel_access}
    %add3A_214 = arith.constant 192000 : i32
    %add3A_215 = arith.addi %add3A_4, %add3A_214 : i32
    %dma_start3A_216 = tpu.memref_slice %arg2[%add3A_215] : memref<12800000xi32, #tpu.memory_space<hbm>> -> memref<8000xi32, #tpu.memory_space<hbm>>
    %dma_start3A_217 = tpu.memref_slice %arg2[%add3A_215] : memref<12800000xi32, #tpu.memory_space<hbm>> -> memref<8000xi32, #tpu.memory_space<hbm>>
    tpu.enqueue_dma source(%dma_start3A_217 : memref<8000xi32, #tpu.memory_space<hbm>>) target(%arg4 : memref<8000xi32, #tpu.memory_space<vmem>>) target_semaphore(%arg8 : memref<!tpu.dma_semaphore, #tpu.memory_space<semaphore_mem>>)
    %dma_wait3A_218 = tpu.memref_slice %arg2[%add3A_197] : memref<12800000xi32, #tpu.memory_space<hbm>> -> memref<8000xi32, #tpu.memory_space<hbm>>
    %dma_wait3A_219 = tpu.memref_slice %arg2[%add3A_197] : memref<12800000xi32, #tpu.memory_space<hbm>> -> memref<8000xi32, #tpu.memory_space<hbm>>
    tpu.wait_dma2 semaphore(%arg9 : memref<!tpu.dma_semaphore, #tpu.memory_space<semaphore_mem>>) src(%dma_wait3A_219 : memref<8000xi32, #tpu.memory_space<hbm>>) dst(%arg5 : memref<8000xi32, #tpu.memory_space<vmem>>)
    %parallel_loop3A_220 = arith.constant 0 : i32
    %parallel_loop3A_221 = arith.constant 500 : i32
    %parallel_loop3A_222 = arith.constant 1 : i32
    scf.for %parallel_loop3A_235 = %parallel_loop3A_220 to %parallel_loop3A_221 step %parallel_loop3A_222  : i32 {
      %parallel_loop3A_236 = arith.constant 16 : i32
      %parallel_loop3A_237 = arith.muli %parallel_loop3A_235, %parallel_loop3A_236 : i32
      %parallel_loop3A_238 = arith.index_cast %parallel_loop3A_237 : i32 to index
      %parallel_loop3A_239 = tpu.vector_load %arg5[%parallel_loop3A_238] {strides = array<i32>} : memref<8000xi32, #tpu.memory_space<vmem>>, vector<16xi32>,
      tpu.vector_store_idx %arg7[%parallel_loop3A_239], %broadcast_in_dim3A_20 {add = true} : memref<100000xf32, #tpu.memory_space<vmem>>[vector<16xi32>], vector<16xf32>,
    } {sc.loop_unroll_factor = 8 : i64, sc.parallel_access}
    %dma_wait3A_223 = tpu.memref_slice %arg2[%add3A_206] : memref<12800000xi32, #tpu.memory_space<hbm>> -> memref<8000xi32, #tpu.memory_space<hbm>>
    %dma_wait3A_224 = tpu.memref_slice %arg2[%add3A_206] : memref<12800000xi32, #tpu.memory_space<hbm>> -> memref<8000xi32, #tpu.memory_space<hbm>>
    tpu.wait_dma2 semaphore(%arg10 : memref<!tpu.dma_semaphore, #tpu.memory_space<semaphore_mem>>) src(%dma_wait3A_224 : memref<8000xi32, #tpu.memory_space<hbm>>) dst(%arg6 : memref<8000xi32, #tpu.memory_space<vmem>>)
    %parallel_loop3A_225 = arith.constant 0 : i32
    %parallel_loop3A_226 = arith.constant 500 : i32
    %parallel_loop3A_227 = arith.constant 1 : i32
    scf.for %parallel_loop3A_235 = %parallel_loop3A_225 to %parallel_loop3A_226 step %parallel_loop3A_227  : i32 {
      %parallel_loop3A_236 = arith.constant 16 : i32
      %parallel_loop3A_237 = arith.muli %parallel_loop3A_235, %parallel_loop3A_236 : i32
      %parallel_loop3A_238 = arith.index_cast %parallel_loop3A_237 : i32 to index
      %parallel_loop3A_239 = tpu.vector_load %arg6[%parallel_loop3A_238] {strides = array<i32>} : memref<8000xi32, #tpu.memory_space<vmem>>, vector<16xi32>,
      tpu.vector_store_idx %arg7[%parallel_loop3A_239], %broadcast_in_dim3A_20 {add = true} : memref<100000xf32, #tpu.memory_space<vmem>>[vector<16xi32>], vector<16xf32>,
    } {sc.loop_unroll_factor = 8 : i64, sc.parallel_access}
    %dma_wait3A_228 = tpu.memref_slice %arg2[%add3A_215] : memref<12800000xi32, #tpu.memory_space<hbm>> -> memref<8000xi32, #tpu.memory_space<hbm>>
    %dma_wait3A_229 = tpu.memref_slice %arg2[%add3A_215] : memref<12800000xi32, #tpu.memory_space<hbm>> -> memref<8000xi32, #tpu.memory_space<hbm>>
    tpu.wait_dma2 semaphore(%arg8 : memref<!tpu.dma_semaphore, #tpu.memory_space<semaphore_mem>>) src(%dma_wait3A_229 : memref<8000xi32, #tpu.memory_space<hbm>>) dst(%arg4 : memref<8000xi32, #tpu.memory_space<vmem>>)
    %parallel_loop3A_230 = arith.constant 0 : i32
    %parallel_loop3A_231 = arith.constant 500 : i32
    %parallel_loop3A_232 = arith.constant 1 : i32
    scf.for %parallel_loop3A_235 = %parallel_loop3A_230 to %parallel_loop3A_231 step %parallel_loop3A_232  : i32 {
      %parallel_loop3A_236 = arith.constant 16 : i32
      %parallel_loop3A_237 = arith.muli %parallel_loop3A_235, %parallel_loop3A_236 : i32
      %parallel_loop3A_238 = arith.index_cast %parallel_loop3A_237 : i32 to index
      %parallel_loop3A_239 = tpu.vector_load %arg4[%parallel_loop3A_238] {strides = array<i32>} : memref<8000xi32, #tpu.memory_space<vmem>>, vector<16xi32>,
      tpu.vector_store_idx %arg7[%parallel_loop3A_239], %broadcast_in_dim3A_20 {add = true} : memref<100000xf32, #tpu.memory_space<vmem>>[vector<16xi32>], vector<16xf32>,
    } {sc.loop_unroll_factor = 8 : i64, sc.parallel_access}
    %mul3A_233 = arith.constant 100000 : i32
    %mul3A_234 = arith.muli %add3A, %mul3A_233 : i32
    "tpu.region"() ({
      %run_scoped3A = tpu.sem_alloc : memref<!tpu.dma_semaphore, #tpu.memory_space<semaphore_mem>>
      %dma_start3A_235 = tpu.memref_slice %arg3[%mul3A_234] : memref<3200000xf32, #tpu.memory_space<hbm>> -> memref<100000xf32, #tpu.memory_space<hbm>>
      %dma_start3A_236 = tpu.memref_slice %arg3[%mul3A_234] : memref<3200000xf32, #tpu.memory_space<hbm>> -> memref<100000xf32, #tpu.memory_space<hbm>>
      tpu.enqueue_dma source(%arg7 : memref<100000xf32, #tpu.memory_space<vmem>>) target(%dma_start3A_236 : memref<100000xf32, #tpu.memory_space<hbm>>) target_semaphore(%run_scoped3A : memref<!tpu.dma_semaphore, #tpu.memory_space<semaphore_mem>>)
      %dma_wait3A_237 = tpu.memref_slice %arg3[%mul3A_234] : memref<3200000xf32, #tpu.memory_space<hbm>> -> memref<100000xf32, #tpu.memory_space<hbm>>
      %dma_wait3A_238 = tpu.memref_slice %arg3[%mul3A_234] : memref<3200000xf32, #tpu.memory_space<hbm>> -> memref<100000xf32, #tpu.memory_space<hbm>>
      tpu.wait_dma2 semaphore(%run_scoped3A : memref<!tpu.dma_semaphore, #tpu.memory_space<semaphore_mem>>) src(%arg7 : memref<100000xf32, #tpu.memory_space<vmem>>) dst(%dma_wait3A_238 : memref<100000xf32, #tpu.memory_space<hbm>>)
      tpu.yield
    }) : () -> ()
    return
  }
}

</mosaic_0001>

<sc_bundles>
// kernel: _degree_partials.3.cloned.1.call-start
scs
__scs_entry_jumppad:
0x0: {  	(pc) =	sbr.rel $0x88, $3  }
0x1: {  	(tag) =	ssettag $0x0;
	lr =	simm.s32 $0x1  }
0x2: {  	[smem:$0x3FA0] =	sst lr;
	_ =	strace $0xD0000000  }
0x3: {  	_ = 	snop  }
0x4: {  	_ = 	snop  }
0x5: {  	_ = 	snop  }
0x6: {  	_ = 	snop  }
0x7: {  	_ = 	snop  }
__scs_overlays_trampoline_lowered:
0x8: {  	[smem:$0x3FAF] =	sst s0  }
0x9: {  	[smem:$0x3FB0] =	sst s1  }
0xa: {  	[smem:$0x3FB1] =	sst s2  }
0xb: {  	[smem:$0x3FB2] =	sst s3  }
0xc: {  	[smem:$0x3FB3] =	sst s4  }
0xd: {  	[smem:$0x3FB4] =	sst s5  }
0xe: {  	[smem:$0x3FB5] =	sst s6  }
0xf: {  	[smem:$0x3FB6] =	sst s7  }
0x10: {  	[smem:$0x3FB7] =	sst s8  }
0x11: {  	[smem:$0x3FB8] =	sst s9;
	s0 =	simm.s32 @!p0 $0x0  }
0x12: {  	s1 =	sld [smem:$0x3F9E];
	s0 =	simm.s32 @p0 $0x1  }
0x13: {  	[smem:$0x3FB9] =	sst s0;
	s0 =	simm.s32 @!p1 $0x0  }
0x14: {  	s2 =	sld [smem:$0x3F9D];
	s0 =	simm.s32 @p1 $0x1  }
0x15: {  	[smem:$0x3FBA] =	sst s0;
	s0 =	simm.s32 @!p2 $0x0  }
0x16: {  	s3 =	sld [smem:$0x3FDB];
	s0 =	simm.s32 @p2 $0x1  }
0x17: {  	s4 =	simm.s32 $0x1BF5;
	[smem:$0x3FBC] =	sst s0  }
0x18: {  	s0 =	sld [smem:$0x3F9F];
	_ =	swait.ge [sflag:s4], $0x0  }
0x19: {  	s7 =	sld [smem:$0x3FA0]  }
0x1a: {  	s8 =	sadd.s32 $0xFFFFE003, lr  }
0x1b: {  	s9 =	sadd.s32 $0xFFFFFEF7, lr;
	s5 =	simm.s32 $0xFFFFFFFF;
	p2 =	slt.u32 s8, $0xFFFFF086  }
0x1c: {  	p1 =	slt.u32 s9, $0xF7A;
	s5 =	simm.s32 @!p2 $0x0  }
0x1d: {  	s5 =	simm.s32 @p1 $0x1;
	p0 =	seq.s32 s7, s2  }
0x1e: {  	s7 =	smul.u32 @!p0 $0xF7A, s2;
	p2 =	seq.s32 @!p0 s5, $0x0  }
0x1f: {  	s9 =	smul.u32 $0xF7A, s1;
	s8 =	simm.s32 @!p0 $0x1BF5;
	p2 =	por !p2, p0  }
0x20: {  	[sflag:s8] =	ssyncset.s32 @!p0 $0xFFFFF086;
	s6 =	sadd.s32 @!p0 s3, s7;
	s7 =	simm.s32 @!p0 $0x108  }
0x21: {  	s3 =	sadd.s32 s3, s9;
	s6 =	sadd.s32 @!p0 $0x88, s6;
	s7 =	simm.s32 @p2 $0x1082  }
0x22: {  	[simem:s7], [sflag:s8] =	dma.local @!p0 [hbm:s6], $0xF7A  }
0x23: {  	s9 =	sor.u32 $0xD0000000, s2;
	s6 =	simm.s32 $0x108;
	_ =	swait.ge @!p0 [sflag:s8], $0x0  }
0x24: {  	s3 =	sadd.s32 $0x88, s3;
	s6 =	simm.s32 @!p1 $0x1082;
	[sflag:s4] =	ssyncset.s32 $0xFFFFF086  }
0x25: {  	[simem:s6], [sflag:s4] =	dma.local [hbm:s3], $0xF7A  }
0x26: {  	[smem:$0x3FA0] =	sst s1;
	(tag) =	ssettag s2;
	_ =	strace s9  }
0x27: {  	s1 =	sld [smem:$0x3FB0]  }
0x28: {  	s2 =	sld [smem:$0x3FB1]  }
0x29: {  	s4 =	sld [smem:$0x3FB3]  }
0x2a: {  	p0 =	seq.s32 s5, $0x0;
	s5 =	sld [smem:$0x3FB4]  }
0x2b: {  	s6 =	sld [smem:$0x3FB5]  }
0x2c: {  	s7 =	sld [smem:$0x3FB6]  }
0x2d: {  	s3 =	simm.s32 $0x108;
	s8 =	sld [smem:$0x3FB7]  }
0x2e: {  	s3 =	simm.s32 @!p0 $0x1082;
	s9 =	sld [smem:$0x3FB8]  }
0x2f: {  	lr =	sadd.s32 s0, s3;
	s0 =	sld [smem:$0x3FAF]  }
0x30: {  	s3 =	sld [smem:$0x3FB2]  }
0x31: {  	[smem:$0x3FBB] =	sst s10  }
0x32: {  	s10 =	sld [smem:$0x3FB9];
	_ =	sdelay $0x3  }
0x33: {  	p0 =	seq.s32 s10, $0x1;
	s10 =	sld [smem:$0x3FBB];
	_ =	sdelay $0x3  }
0x34: {  	[smem:$0x3FBB] =	sst s10  }
0x35: {  	s10 =	sld [smem:$0x3FBA];
	_ =	sdelay $0x3  }
0x36: {  	p1 =	seq.s32 s10, $0x1;
	s10 =	sld [smem:$0x3FBB];
	_ =	sdelay $0x3  }
0x37: {  	[smem:$0x3FBB] =	sst s10  }
0x38: {  	s10 =	sld [smem:$0x3FBC]  }
0x39: {  	_ = 	snop;
	(pc) =	sbr.ind lr, $3  }
0x3a: {  	_ = 	snop  }
0x3b: {  	_ = 	snop  }
0x3c: {  	p2 =	seq.s32 s10, $0x1;
	s10 =	sld [smem:$0x3FBB]  }
0x3d: {  	_ =	shalt  }
0x3e: {  	_ =	shalt  }
0x3f: {  	_ =	shalt  }
0x40: {  	_ =	shalt  }
0x41: {  	_ =	shalt  }
0x42: {  	_ =	shalt  }
0x43: {  	_ =	shalt  }
0x44: {  	_ =	shalt  }
0x45: {  	_ =	shalt  }
0x46: {  	_ =	shalt  }
0x47: {  	_ =	shalt  }
0x48: {  	_ =	shalt  }
0x49: {  	_ =	shalt  }
0x4a: {  	_ =	shalt  }
0x4b: {  	_ =	shalt  }
0x4c: {  	_ =	shalt  }
0x4d: {  	_ =	shalt  }
0x4e: {  	_ =	shalt  }
0x4f: {  	_ =	shalt  }
0x50: {  	_ =	shalt  }
0x51: {  	_ =	shalt  }
0x52: {  	_ =	shalt  }
0x53: {  	_ =	shalt  }
0x54: {  	_ =	shalt  }
0x55: {  	_ =	shalt  }
0x56: {  	_ =	shalt  }
0x57: {  	_ =	shalt  }
0x58: {  	_ =	shalt  }
0x59: {  	_ =	shalt  }
0x5a: {  	_ =	shalt  }
0x5b: {  	_ =	shalt  }
0x5c: {  	_ =	shalt  }
0x5d: {  	_ =	shalt  }
0x5e: {  	_ =	shalt  }
0x5f: {  	_ =	shalt  }
0x60: {  	_ =	shalt  }
0x61: {  	_ =	shalt  }
0x62: {  	_ =	shalt  }
0x63: {  	_ =	shalt  }
0x64: {  	_ =	shalt  }
0x65: {  	_ =	shalt  }
0x66: {  	_ =	shalt  }
0x67: {  	_ =	shalt  }
0x68: {  	_ =	shalt  }
0x69: {  	_ =	shalt  }
0x6a: {  	_ =	shalt  }
0x6b: {  	_ =	shalt  }
0x6c: {  	_ =	shalt  }
0x6d: {  	_ =	shalt  }
0x6e: {  	_ =	shalt  }
0x6f: {  	_ =	shalt  }
0x70: {  	_ =	shalt  }
0x71: {  	_ =	shalt  }
0x72: {  	_ =	shalt  }
0x73: {  	_ =	shalt  }
0x74: {  	_ =	shalt  }
0x75: {  	_ =	shalt  }
0x76: {  	_ =	shalt  }
0x77: {  	_ =	shalt  }
0x78: {  	_ =	shalt  }
0x79: {  	_ =	shalt  }
0x7a: {  	_ =	shalt  }
0x7b: {  	_ =	shalt  }
0x7c: {  	_ =	shalt  }
0x7d: {  	_ =	shalt  }
0x7e: {  	_ =	shalt  }
0x7f: {  	_ =	shalt  }
0x80: {  	_ =	shalt  }
0x81: {  	_ =	shalt  }
0x82: {  	_ =	shalt  }
0x83: {  	_ =	shalt  }
0x84: {  	_ =	shalt  }
0x85: {  	_ =	shalt  }
0x86: {  	_ =	shalt  }
0x87: {  	_ =	shalt  }
.Lfunc_end0:
.L_simem_size_0:
called_computation_lowered:
.L_overlay_start_0:
0x88: {  	s2 =	sld [smem:$0x3FD9]  }
0x89: {  	s3 =	sld [smem:$0x3FFE];
	_ =	sdelay $0x1  }
0x8a: {  	s1 =	srdreg.scid  }
0x8b: {  	s0 =	sand.u32 $0x1, s1  }
0x8c: {  	s18 =	sshll.u32 s0, $0xA;
	s2 =	sadd.s32 s3, s2  }
0x8d: {  	s2 =	sadd.s32 s2, s18  }
0x8e: {  	[smem:$0x3FC7] =	sst s2  }
0x8f: {  	_ = 	snop  }
0x90: {  	s2 =	sld [smem:$0x3FC9]  }
0x91: {  	s19 =	sld [smem:$0x3FD0];
	(tm) =	ssettm $0x1  }
0x92: {  	s4 =	sld [smem:$0x3FFB];
	_ =	sdelay $0x3  }
0x93: {  	_ =	strace s4  }
0x94: {  	s4 =	sld [smem:$0x3FFC];
	_ =	sdelay $0x3  }
0x95: {  	_ =	strace s4  }
0x96: {  	s4 =	sld [smem:$0x3FFD];
	_ =	sdelay $0x3  }
0x97: {  	_ =	strace s4  }
0x98: {  	_ =	strace $0x8FFFFFFF  }
0x99: {  	s20 =	sld [smem:$0x3FDB];
	_ =	sdelay $0x1  }
0x9a: {  	s5 =	simm.s32 $_scs_section_size  }
0x9b: {  	s6 =	simm.s32 $_size__tile_overlayer_lowered;
	s7 =	simm.s32 $_tile_overlayer_lowered  }
0x9c: {  	s23 =	simm.s32 $0x1BFF;
	s22 =	sshll.u32 s7, $0x1;
	s4 =	sadd.s32 s5, s20  }
0x9d: {  	s8 =	simm.s32 $0x0;
	s21 =	sshll.u32 s6, $0x1;
	s6 =	sadd.s32 s22, s4  }
0x9e: {  	[timem:s8], [sflag:s23] =	dma.local [hbm:s6], s21  }
0x9f: {  	_ =	swait.ge [sflag:s23], s21  }
0xa0: {  	s5 =	ssub.s32 $0x0, s21;
	[sflag:s23] =	ssyncset.done $0x0  }
0xa1: {  	[sflag:s23] =	ssyncadd.s32 s5;
	_ =	sdelay $0x1  }
0xa2: {  	s24 =	simm.s32 $0x1B8B  }
0xa3: {  	_ =	swait.ge [sflag:s24], $0x1  }
0xa4: {  	[sflag:s24] =	ssyncset.done $0x0  }
0xa5: {  	s25 =	simm.s32 $0x1B8E;
	[sflag:s24] =	ssyncadd.s32 $0xFFFFFFFF  }
0xa6: {  	s26 =	simm.s32 $execute0_lowered;
	[smem:$0x3FD2] =	sst s25  }
0xa7: {  	s5 =	sshll.u32 s26, $0x1;
	_ =	strace $0x80000046;
	[dreg:$0x1] =	wrdreg $0xFFFFFFFF  }
0xa8: {  	s28 =	simm.s32 $_size_execute0_lowered;
	s4 =	sadd.s32 s4, s5;
	[dreg:$0x0] =	wrdreg $0x0  }
0xa9: {  	s5 =	sshll.u32 s28, $0x1;
	[dreg:$0x2] =	wrdreg s4  }
0xaa: {  	[dreg:$0x3] =	wrdreg s5  }
0xab: {  	[dreg:$0x4] =	wrdreg $0xC0  }
0xac: {  	_ =	task [dreg:s8], $0x5FFFF  }
0xad: {  	[dreg:$0x1] =	wrdreg $0xFFFFFFFF  }
0xae: {  	[dreg:$0x0] =	wrdreg $0x60  }
0xaf: {  	[dreg:$0x2] =	wrdreg s2  }
0xb0: {  	[dreg:$0x3] =	wrdreg s19  }
0xb1: {  	[dreg:$0x4] =	wrdreg $0x9  }
0xb2: {  	_ =	task.clear_ibuf [dreg:s8], $0x5FFFF;
	_ =	strace $0x90000046  }
0xb3: {  	s29 =	simm.s32 $0x9;
	_ =	strace $0x80000048  }
0xb4: {  	_ =	swait.ge [sflag:s29], $0x1  }
0xb5: {  	[sflag:s29] =	ssyncadd.s32 $0xFFFFFFFF  }
0xb6: {  	_ =	strace $0x90000048  }
0xb7: {  	_ =	sfence  }
0xb8: {  	s30 =	sld [smem:$0x0];
	_ =	sdelay $0x2  }
0xb9: {  	s31 =	sshll.u32 s1, $0xD;
	s1 =	sshrl.u32 s1, $0x2  }
0xba: {  	s3 =	sand.u32 $0x4000, s31;
	s1 =	sadd.s32 s1, s30  }
0xbb: {  	s0 =	sor.u32 s3, s0;
	s1 =	sshll.u32 s1, $0x11  }
0xbc: {  	s0 =	sor.u32 s1, s0  }
0xbd: {  	s0 =	sadd.s32 $0x8F2B, s0  }
0xbe: {  	[sflag:s0] =	ssyncadd.remote.s32 $0x1  }
0xbf: {  	_ =	sfence.sel $0xFFFF  }
0xc0: {  	[dreg:$0x0] =	wrdreg $0xFFFFFFFF;
	(pc) =	sbr.abs _section_cstart, $3  }
0xc1: {  	[dreg:$0x1] =	wrdreg $0xFFFFFFFF  }
0xc2: {  	_ =	task.clear_ibuf [dreg:s8], $0x2FFFF;
	_ =	strace $0x9FFFFFFF  }
0xc3: {  	(tm) =	ssettm $0x7FFFFFFF  }
tec
execute0_lowered:
.L_overlay_start_1:
0x0: {  	(tag) =	ssettag $0x1  }
0x1: {  	s0 =	srdreg.scid;
	s1 =	stileid.u32  }
0x2: {  	s3 =	rddreg [dreg:$0x0];
	s0 =	sand.u32 $0x1, s0;
	s1 =	sshll.u32 s1, $0x1  }
0x3: {  	s4 =	rddreg [dreg:$0x1];
	s2 =	simm.s32 $0x0;
	s1 =	sor.u32 s0, s1  }
0x4: {  	s31 =	simm.s32 $0x1F80;
	[smem:$0x7FF] =	sst s2;
	s5 =	smul.u32 $0x30D40, s1  }
0x5: {  	s7 =	simm.s32 $0x0;
	s0 =	ssub.s32 $0x2, s0;
	_ =	strace $0x80000047  }
0x6: {  	s6 =	sshrl.u32 s0, $0x1;
	s1 =	smul.u32 $0x30D4, s1;
	s5 =	sshrl.u32 s5, $0x3  }
0x7: {  	s0 =	ssub.s32 s0, s6;
	s6 =	simm.s32 $0x4;
	s3 =	sadd.s32 s3, s5  }
0x8: {  	s30 =	smax.u32 s0, $0x1;
	s0 =	simm.s32 $0x1;
	s5 =	sadd.s32 $0xC3500, s3  }
0x9: {  	s21 =	sadd.s32 $0xC38E8, s3;
	s22 =	sadd.s32 $0xC3CD0, s3;
	s23 =	sadd.s32 $0xC40B8, s3  }
0xa: {  	s24 =	sadd.s32 $0xC44A0, s3;
	s25 =	sadd.s32 $0xC4888, s3;
	s26 =	sadd.s32 $0xC4C70, s3  }
0xb: {  	s10 =	sadd.s32 $0xC5058, s3;
	s11 =	sadd.s32 $0xC5440, s3;
	[dreg:$0x3] =	wrdreg s5  }
0xc: {  	s12 =	sadd.s32 $0xC5828, s3;
	s13 =	sadd.s32 $0xC5C10, s3;
	[dreg:$0x4] =	wrdreg s21  }
0xd: {  	s14 =	sadd.s32 $0xC5FF8, s3;
	s15 =	sadd.s32 $0xC63E0, s3;
	[dreg:$0x5] =	wrdreg s22  }
0xe: {  	s16 =	sadd.s32 $0xC67C8, s3;
	s17 =	sadd.s32 $0xC6BB0, s3;
	[dreg:$0x6] =	wrdreg s23  }
0xf: {  	s18 =	sadd.s32 $0xC6F98, s3;
	s19 =	sadd.s32 $0xC7380, s3;
	[dreg:$0x7] =	wrdreg s24  }
0x10: {  	s20 =	sadd.s32 $0xC7768, s3;
	s28 =	sadd.s32 $0xC8ED8, s3;
	[dreg:$0x8] =	wrdreg s25  }
0x11: {  	s29 =	sadd.s32 $0xC92C0, s3;
	[dreg:$0x9] =	wrdreg s26;
	s21 =	sadd.s32 $0xC7B50, s3  }
0x12: {  	s22 =	sadd.s32 s4, s1;
	s23 =	sadd.s32 $0xC7F38, s3;
	s24 =	sadd.s32 $0xC8320, s3  }
0x13: {  	s25 =	sadd.s32 $0xC8708, s3;
	s26 =	sadd.s32 $0xC8AF0, s3;
	s1 =	simm.s32 $0x3F00  }
0x14: {  	v0 =	vimm.f32 $0.0e+00;
	v1 =	vimm.f32 $1.000000000e+00;
	s3 =	simm.s32 $0x5E80;
	s4 =	simm.s32 $0x2;
	s5 =	simm.s32 $0x3  }
.LBB2_1:
0x15: {  	s8 =	rddreg [dreg:$0x3]  }
0x16: {  	[tilespmem:s2], [sflag:$0x1] =	stream.linear.gather [hbm4b:s8+s2], $0x1F40, $0x38;
	[tilespmem:$0x1E580] =	vst v63  }
0x17: {  	s9 =	rddreg [dreg:$0x4]  }
0x18: {  	[tilespmem:s31], [sflag:$0x2] =	stream.linear.gather [hbm4b:s9+s2], $0x1F40, $0x38;
	[tilespmem:$0x1E580] =	vst v63  }
0x19: {  	s8 =	simm.s32 $0x5EC0;
	s9 =	rddreg [dreg:$0x5]  }
0x1a: {  	[tilespmem:s1], [sflag:$0x3] =	stream.linear.gather [hbm4b:s9+s2], $0x1F40, $0x38;
	[tilespmem:$0x1E580] =	vst v63  }
0x1b: {  	[tilespmem:s8+$0xFFFFFFC0] =	vst v0  }
0x1c: {  	[tilespmem:s8+$0x30] =	vst v0  }
0x1d: {  	[tilespmem:s8+$0x20] =	vst v0  }
0x1e: {  	[tilespmem:s8+$0x10] =	vst v0  }
0x1f: {  	[tilespmem:s8+$0x0] =	vst v0  }
0x20: {  	[tilespmem:s8+$0xFFFFFFF0] =	vst v0  }
0x21: {  	s9 =	simm.s32 $0x0;
	[tilespmem:s8+$0xFFFFFFE0] =	vst v0  }
.LBB2_2:
0x22: {  	s9 =	sadd.s32 $0x8, s9;
	[tilespmem:s8+$0xFFFFFFD0] =	vst v0;
	s8 =	sadd.s32 $0x80, s8  }
0x23: {  	[tilespmem:s8+$0xFFFFFFC0] =	vst v0;
	p0 =	slt.u32 s9, $0x1860  }
0x24: {  	[tilespmem:s8+$0x30] =	vst v0  }
.Ltmp0:
0x25: {  	[tilespmem:s8+$0x20] =	vst v0;
	(pc) =	sbr.rel @p0 .LBB2_2-.Ltmp0, $4  }
0x26: {  	[tilespmem:s8+$0x10] =	vst v0  }
0x27: {  	[tilespmem:s8+$0x0] =	vst v0  }
0x28: {  	[tilespmem:s8+$0xFFFFFFF0] =	vst v0  }
0x29: {  	[tilespmem:s8+$0xFFFFFFE0] =	vst v0  }
0x2a: {  	[tilespmem:s8+$0xFFFFFFD0] =	vst v0;
	s8 =	simm.s32 $0x0  }
.LBB2_4:
0x2b: {  	p0 =	sne.s32 s8, $0x40  }
.Ltmp1:
0x2c: {  	_ = 	snop;
	(pc) =	sbr.rel @p0 .LBB2_4-.Ltmp1, $3  }
0x2d: {  	_ =	sdelay $0x1  }
0x2e: {  	s9 =	sshra.s32 s8, $0x2  }
0x2f: {  	s8 =	sadd.s32 $0x40, s8;
	[tilespmem:s9+$0x1E500] =	vst v0  }
0x30: {  	_ =	swait.ge [sflag:s0], $0x1F40  }
0x31: {  	[sflag:s0] =	ssyncset.done $0x0  }
0x32: {  	s8 =	simm.s32 $0x40;
	[sflag:s0] =	ssyncadd.s32 $0xFFFFE0C0  }
0x33: {  	v3 =	vld [tilespmem:s8+$0xFFFFFFC0]  }
0x34: {  	v4 =	vld [tilespmem:s8+$0x30]  }
0x35: {  	v5 =	vld [tilespmem:s8+$0x20]  }
0x36: {  	v6 =	vld [tilespmem:s8+$0x10]  }
0x37: {  	v7 =	vld [tilespmem:s8+$0x0]  }
0x38: {  	v8 =	vld [tilespmem:s8+$0xFFFFFFF0]  }
0x39: {  	v9 =	vld [tilespmem:s8+$0xFFFFFFE0]  }
0x3a: {  	v2 =	vld [tilespmem:s8+$0xFFFFFFD0]  }
0x3b: {  	[tilespmem:v3+s3+$0x0] =	vst.idx.add.f32.msk $0xffff, v1  }
0x3c: {  	[tilespmem:v4+s3+$0x0] =	vst.idx.add.f32.msk $0xffff, v1  }
0x3d: {  	[tilespmem:v5+s3+$0x0] =	vst.idx.add.f32.msk $0xffff, v1  }
0x3e: {  	[tilespmem:v6+s3+$0x0] =	vst.idx.add.f32.msk $0xffff, v1  }
0x3f: {  	[tilespmem:v7+s3+$0x0] =	vst.idx.add.f32.msk $0xffff, v1  }
0x40: {  	[tilespmem:v8+s3+$0x0] =	vst.idx.add.f32.msk $0xffff, v1  }
0x41: {  	s9 =	simm.s32 $0x0;
	[tilespmem:v9+s3+$0x0] =	vst.idx.add.f32.msk $0xffff, v1  }
.LBB2_6:
0x42: {  	s9 =	sadd.s32 $0x8, s9;
	[tilespmem:v2+s3+$0x0] =	vst.idx.add.f32.msk $0xffff, v1;
	s8 =	sadd.s32 $0x80, s8  }
0x43: {  	v3 =	vld [tilespmem:s8+$0xFFFFFFC0];
	p0 =	slt.u32 s9, $0x1E8  }
0x44: {  	v4 =	vld [tilespmem:s8+$0x30]  }
0x45: {  	v5 =	vld [tilespmem:s8+$0x20]  }
0x46: {  	v6 =	vld [tilespmem:s8+$0x10]  }
0x47: {  	v7 =	vld [tilespmem:s8+$0x0]  }
0x48: {  	v8 =	vld [tilespmem:s8+$0xFFFFFFF0]  }
0x49: {  	v9 =	vld [tilespmem:s8+$0xFFFFFFE0]  }
0x4a: {  	v2 =	vld [tilespmem:s8+$0xFFFFFFD0]  }
0x4b: {  	[tilespmem:v3+s3+$0x0] =	vst.idx.add.f32.msk $0xffff, v1  }
0x4c: {  	[tilespmem:v4+s3+$0x0] =	vst.idx.add.f32.msk $0xffff, v1  }
.Ltmp2:
0x4d: {  	[tilespmem:v5+s3+$0x0] =	vst.idx.add.f32.msk $0xffff, v1;
	(pc) =	sbr.rel @p0 .LBB2_6-.Ltmp2, $4  }
0x4e: {  	[tilespmem:v6+s3+$0x0] =	vst.idx.add.f32.msk $0xffff, v1  }
0x4f: {  	[tilespmem:v7+s3+$0x0] =	vst.idx.add.f32.msk $0xffff, v1  }
0x50: {  	[tilespmem:v8+s3+$0x0] =	vst.idx.add.f32.msk $0xffff, v1  }
0x51: {  	[tilespmem:v9+s3+$0x0] =	vst.idx.add.f32.msk $0xffff, v1  }
0x52: {  	_ =	sdelay $0x3  }
0x53: {  	[tilespmem:v2+s3+$0x0] =	vst.idx.add.f32.msk $0xffff, v1;
	s8 =	simm.s32 $0x0  }
.LBB2_8:
0x54: {  	s9 =	sshra.s32 s8, $0x2  }
0x55: {  	v2 =	vld [tilespmem:s9+$0x1F00];
	_ =	sdelay $0x2  }
0x56: {  	p0 =	sne.s32 s8, $0xC0  }
.Ltmp3:
0x57: {  	_ = 	snop;
	(pc) =	sbr.rel @p0 .LBB2_8-.Ltmp3, $2  }
0x58: {  	_ =	sdelay $0x2  }
0x59: {  	s8 =	sadd.s32 $0x40, s8;
	[tilespmem:v2+s3+$0x0] =	vst.idx.add.f32.msk $0xffff, v1  }
0x5a: {  	s8 =	rddreg [dreg:$0x6]  }
0x5b: {  	[tilespmem:s2], [sflag:$0x1] =	stream.linear.gather [hbm4b:s8+s2], $0x1F40, $0x38;
	[tilespmem:$0x1E580] =	vst v63  }
0x5c: {  	_ =	swait.ge [sflag:s4], $0x1F40  }
0x5d: {  	[sflag:s4] =	ssyncset.done $0x0  }
0x5e: {  	s8 =	simm.s32 $0x1FC0;
	[sflag:s4] =	ssyncadd.s32 $0xFFFFE0C0  }
0x5f: {  	v3 =	vld [tilespmem:s8+$0xFFFFFFC0]  }
0x60: {  	v4 =	vld [tilespmem:s8+$0x30]  }
0x61: {  	v5 =	vld [tilespmem:s8+$0x20]  }
0x62: {  	v6 =	vld [tilespmem:s8+$0x10]  }
0x63: {  	v7 =	vld [tilespmem:s8+$0x0]  }
0x64: {  	v8 =	vld [tilespmem:s8+$0xFFFFFFF0]  }
0x65: {  	v9 =	vld [tilespmem:s8+$0xFFFFFFE0]  }
0x66: {  	v2 =	vld [tilespmem:s8+$0xFFFFFFD0]  }
0x67: {  	[tilespmem:v3+s3+$0x0] =	vst.idx.add.f32.msk $0xffff, v1  }
0x68: {  	[tilespmem:v4+s3+$0x0] =	vst.idx.add.f32.msk $0xffff, v1  }
0x69: {  	[tilespmem:v5+s3+$0x0] =	vst.idx.add.f32.msk $0xffff, v1  }
0x6a: {  	[tilespmem:v6+s3+$0x0] =	vst.idx.add.f32.msk $0xffff, v1  }
0x6b: {  	[tilespmem:v7+s3+$0x0] =	vst.idx.add.f32.msk $0xffff, v1  }
0x6c: {  	[tilespmem:v8+s3+$0x0] =	vst.idx.add.f32.msk $0xffff, v1  }
0x6d: {  	s9 =	simm.s32 $0x0;
	[tilespmem:v9+s3+$0x0] =	vst.idx.add.f32.msk $0xffff, v1  }
.LBB2_10:
0x6e: {  	s9 =	sadd.s32 $0x8, s9;
	[tilespmem:v2+s3+$0x0] =	vst.idx.add.f32.msk $0xffff, v1;
	s8 =	sadd.s32 $0x80, s8  }
0x6f: {  	v3 =	vld [tilespmem:s8+$0xFFFFFFC0];
	p0 =	slt.u32 s9, $0x1E8  }
0x70: {  	v4 =	vld [tilespmem:s8+$0x30]  }
0x71: {  	v5 =	vld [tilespmem:s8+$0x20]  }
0x72: {  	v6 =	vld [tilespmem:s8+$0x10]  }
0x73: {  	v7 =	vld [tilespmem:s8+$0x0]  }
0x74: {  	v8 =	vld [tilespmem:s8+$0xFFFFFFF0]  }
0x75: {  	v9 =	vld [tilespmem:s8+$0xFFFFFFE0]  }
0x76: {  	v2 =	vld [tilespmem:s8+$0xFFFFFFD0]  }
0x77: {  	[tilespmem:v3+s3+$0x0] =	vst.idx.add.f32.msk $0xffff, v1  }
0x78: {  	[tilespmem:v4+s3+$0x0] =	vst.idx.add.f32.msk $0xffff, v1  }
.Ltmp4:
0x79: {  	[tilespmem:v5+s3+$0x0] =	vst.idx.add.f32.msk $0xffff, v1;
	(pc) =	sbr.rel @p0 .LBB2_10-.Ltmp4, $4  }
0x7a: {  	[tilespmem:v6+s3+$0x0] =	vst.idx.add.f32.msk $0xffff, v1  }
0x7b: {  	[tilespmem:v7+s3+$0x0] =	vst.idx.add.f32.msk $0xffff, v1  }
0x7c: {  	[tilespmem:v8+s3+$0x0] =	vst.idx.add.f32.msk $0xffff, v1  }
0x7d: {  	[tilespmem:v9+s3+$0x0] =	vst.idx.add.f32.msk $0xffff, v1  }
0x7e: {  	_ =	sdelay $0x3  }
0x7f: {  	[tilespmem:v2+s3+$0x0] =	vst.idx.add.f32.msk $0xffff, v1;
	s8 =	simm.s32 $0x0  }
.LBB2_12:
0x80: {  	s9 =	sshra.s32 s8, $0x2  }
0x81: {  	v2 =	vld [tilespmem:s9+$0x3E80];
	_ =	sdelay $0x2  }
0x82: {  	p0 =	sne.s32 s8, $0xC0  }
.Ltmp5:
0x83: {  	_ = 	snop;
	(pc) =	sbr.rel @p0 .LBB2_12-.Ltmp5, $2  }
0x84: {  	_ =	sdelay $0x2  }
0x85: {  	s8 =	sadd.s32 $0x40, s8;
	[tilespmem:v2+s3+$0x0] =	vst.idx.add.f32.msk $0xffff, v1  }
0x86: {  	s8 =	rddreg [dreg:$0x7]  }
0x87: {  	[tilespmem:s31], [sflag:$0x2] =	stream.linear.gather [hbm4b:s8+s2], $0x1F40, $0x38;
	[tilespmem:$0x1E580] =	vst v63  }
0x88: {  	_ =	swait.ge [sflag:s5], $0x1F40  }
0x89: {  	[sflag:s5] =	ssyncset.done $0x0  }
0x8a: {  	s8 =	simm.s32 $0x3F40;
	[sflag:s5] =	ssyncadd.s32 $0xFFFFE0C0  }
0x8b: {  	v3 =	vld [tilespmem:s8+$0xFFFFFFC0]  }
0x8c: {  	v4 =	vld [tilespmem:s8+$0x30]  }
0x8d: {  	v5 =	vld [tilespmem:s8+$0x20]  }
0x8e: {  	v6 =	vld [tilespmem:s8+$0x10]  }
0x8f: {  	v7 =	vld [tilespmem:s8+$0x0]  }
0x90: {  	v8 =	vld [tilespmem:s8+$0xFFFFFFF0]  }
0x91: {  	v9 =	vld [tilespmem:s8+$0xFFFFFFE0]  }
0x92: {  	v2 =	vld [tilespmem:s8+$0xFFFFFFD0]  }
0x93: {  	[tilespmem:v3+s3+$0x0] =	vst.idx.add.f32.msk $0xffff, v1  }
0x94: {  	[tilespmem:v4+s3+$0x0] =	vst.idx.add.f32.msk $0xffff, v1  }
0x95: {  	[tilespmem:v5+s3+$0x0] =	vst.idx.add.f32.msk $0xffff, v1  }
0x96: {  	[tilespmem:v6+s3+$0x0] =	vst.idx.add.f32.msk $0xffff, v1  }
0x97: {  	[tilespmem:v7+s3+$0x0] =	vst.idx.add.f32.msk $0xffff, v1  }
0x98: {  	[tilespmem:v8+s3+$0x0] =	vst.idx.add.f32.msk $0xffff, v1  }
0x99: {  	s9 =	simm.s32 $0x0;
	[tilespmem:v9+s3+$0x0] =	vst.idx.add.f32.msk $0xffff, v1  }
.LBB2_14:
0x9a: {  	s9 =	sadd.s32 $0x8, s9;
	[tilespmem:v2+s3+$0x0] =	vst.idx.add.f32.msk $0xffff, v1;
	s8 =	sadd.s32 $0x80, s8  }
0x9b: {  	v3 =	vld [tilespmem:s8+$0xFFFFFFC0];
	p0 =	slt.u32 s9, $0x1E8  }
0x9c: {  	v4 =	vld [tilespmem:s8+$0x30]  }
0x9d: {  	v5 =	vld [tilespmem:s8+$0x20]  }
0x9e: {  	v6 =	vld [tilespmem:s8+$0x10]  }
0x9f: {  	v7 =	vld [tilespmem:s8+$0x0]  }
0xa0: {  	v8 =	vld [tilespmem:s8+$0xFFFFFFF0]  }
0xa1: {  	v9 =	vld [tilespmem:s8+$0xFFFFFFE0]  }
0xa2: {  	v2 =	vld [tilespmem:s8+$0xFFFFFFD0]  }
0xa3: {  	[tilespmem:v3+s3+$0x0] =	vst.idx.add.f32.msk $0xffff, v1  }
0xa4: {  	[tilespmem:v4+s3+$0x0] =	vst.idx.add.f32.msk $0xffff, v1  }
.Ltmp6:
0xa5: {  	[tilespmem:v5+s3+$0x0] =	vst.idx.add.f32.msk $0xffff, v1;
	(pc) =	sbr.rel @p0 .LBB2_14-.Ltmp6, $4  }
0xa6: {  	[tilespmem:v6+s3+$0x0] =	vst.idx.add.f32.msk $0xffff, v1  }
0xa7: {  	[tilespmem:v7+s3+$0x0] =	vst.idx.add.f32.msk $0xffff, v1  }
0xa8: {  	[tilespmem:v8+s3+$0x0] =	vst.idx.add.f32.msk $0xffff, v1  }
0xa9: {  	[tilespmem:v9+s3+$0x0] =	vst.idx.add.f32.msk $0xffff, v1  }
0xaa: {  	_ =	sdelay $0x3  }
0xab: {  	[tilespmem:v2+s3+$0x0] =	vst.idx.add.f32.msk $0xffff, v1;
	s8 =	simm.s32 $0x0  }
.LBB2_16:
0xac: {  	s9 =	sshra.s32 s8, $0x2  }
0xad: {  	v2 =	vld [tilespmem:s9+$0x5E00];
	_ =	sdelay $0x2  }
0xae: {  	p0 =	sne.s32 s8, $0xC0  }
.Ltmp7:
0xaf: {  	_ = 	snop;
	(pc) =	sbr.rel @p0 .LBB2_16-.Ltmp7, $2  }
0xb0: {  	_ =	sdelay $0x2  }
0xb1: {  	s8 =	sadd.s32 $0x40, s8;
	[tilespmem:v2+s3+$0x0] =	vst.idx.add.f32.msk $0xffff, v1  }
0xb2: {  	s8 =	rddreg [dreg:$0x8]  }
0xb3: {  	[tilespmem:s1], [sflag:$0x3] =	stream.linear.gather [hbm4b:s8+s2], $0x1F40, $0x38;
	[tilespmem:$0x1E580] =	vst v63  }
0xb4: {  	_ =	swait.ge [sflag:s0], $0x1F40  }
0xb5: {  	[sflag:s0] =	ssyncset.done $0x0  }
0xb6: {  	s8 =	simm.s32 $0x40;
	[sflag:s0] =	ssyncadd.s32 $0xFFFFE0C0  }
0xb7: {  	v3 =	vld [tilespmem:s8+$0xFFFFFFC0]  }
0xb8: {  	v4 =	vld [tilespmem:s8+$0x30]  }
0xb9: {  	v5 =	vld [tilespmem:s8+$0x20]  }
0xba: {  	v6 =	vld [tilespmem:s8+$0x10]  }
0xbb: {  	v7 =	vld [tilespmem:s8+$0x0]  }
0xbc: {  	v8 =	vld [tilespmem:s8+$0xFFFFFFF0]  }
0xbd: {  	v9 =	vld [tilespmem:s8+$0xFFFFFFE0]  }
0xbe: {  	v2 =	vld [tilespmem:s8+$0xFFFFFFD0]  }
0xbf: {  	[tilespmem:v3+s3+$0x0] =	vst.idx.add.f32.msk $0xffff, v1  }
0xc0: {  	[tilespmem:v4+s3+$0x0] =	vst.idx.add.f32.msk $0xffff, v1  }
0xc1: {  	[tilespmem:v5+s3+$0x0] =	vst.idx.add.f32.msk $0xffff, v1  }
0xc2: {  	[tilespmem:v6+s3+$0x0] =	vst.idx.add.f32.msk $0xffff, v1  }
0xc3: {  	[tilespmem:v7+s3+$0x0] =	vst.idx.add.f32.msk $0xffff, v1  }
0xc4: {  	[tilespmem:v8+s3+$0x0] =	vst.idx.add.f32.msk $0xffff, v1  }
0xc5: {  	s9 =	simm.s32 $0x0;
	[tilespmem:v9+s3+$0x0] =	vst.idx.add.f32.msk $0xffff, v1  }
.LBB2_18:
0xc6: {  	s9 =	sadd.s32 $0x8, s9;
	[tilespmem:v2+s3+$0x0] =	vst.idx.add.f32.msk $0xffff, v1;
	s8 =	sadd.s32 $0x80, s8  }
0xc7: {  	v3 =	vld [tilespmem:s8+$0xFFFFFFC0];
	p0 =	slt.u32 s9, $0x1E8  }
0xc8: {  	v4 =	vld [tilespmem:s8+$0x30]  }
0xc9: {  	v5 =	vld [tilespmem:s8+$0x20]  }
0xca: {  	v6 =	vld [tilespmem:s8+$0x10]  }
0xcb: {  	v7 =	vld [tilespmem:s8+$0x0]  }
0xcc: {  	v8 =	vld [tilespmem:s8+$0xFFFFFFF0]  }
0xcd: {  	v9 =	vld [tilespmem:s8+$0xFFFFFFE0]  }
0xce: {  	v2 =	vld [tilespmem:s8+$0xFFFFFFD0]  }
0xcf: {  	[tilespmem:v3+s3+$0x0] =	vst.idx.add.f32.msk $0xffff, v1  }
0xd0: {  	[tilespmem:v4+s3+$0x0] =	vst.idx.add.f32.msk $0xffff, v1  }
.Ltmp8:
0xd1: {  	[tilespmem:v5+s3+$0x0] =	vst.idx.add.f32.msk $0xffff, v1;
	(pc) =	sbr.rel @p0 .LBB2_18-.Ltmp8, $4  }
0xd2: {  	[tilespmem:v6+s3+$0x0] =	vst.idx.add.f32.msk $0xffff, v1  }
0xd3: {  	[tilespmem:v7+s3+$0x0] =	vst.idx.add.f32.msk $0xffff, v1  }
0xd4: {  	[tilespmem:v8+s3+$0x0] =	vst.idx.add.f32.msk $0xffff, v1  }
0xd5: {  	[tilespmem:v9+s3+$0x0] =	vst.idx.add.f32.msk $0xffff, v1  }
0xd6: {  	_ =	sdelay $0x3  }
0xd7: {  	[tilespmem:v2+s3+$0x0] =	vst.idx.add.f32.msk $0xffff, v1;
	s8 =	simm.s32 $0x0  }
.LBB2_20:
0xd8: {  	s9 =	sshra.s32 s8, $0x2  }
0xd9: {  	v2 =	vld [tilespmem:s9+$0x1F00];
	_ =	sdelay $0x2  }
0xda: {  	p0 =	sne.s32 s8, $0xC0  }
.Ltmp9:
0xdb: {  	_ = 	snop;
	(pc) =	sbr.rel @p0 .LBB2_20-.Ltmp9, $2  }
0xdc: {  	_ =	sdelay $0x2  }
0xdd: {  	s8 =	sadd.s32 $0x40, s8;
	[tilespmem:v2+s3+$0x0] =	vst.idx.add.f32.msk $0xffff, v1  }
0xde: {  	s8 =	rddreg [dreg:$0x9]  }
0xdf: {  	[tilespmem:s2], [sflag:$0x1] =	stream.linear.gather [hbm4b:s8+s2], $0x1F40, $0x38;
	[tilespmem:$0x1E580] =	vst v63  }
0xe0: {  	_ =	swait.ge [sflag:s4], $0x1F40  }
0xe1: {  	[sflag:s4] =	ssyncset.done $0x0  }
0xe2: {  	s8 =	simm.s32 $0x1FC0;
	[sflag:s4] =	ssyncadd.s32 $0xFFFFE0C0  }
0xe3: {  	v3 =	vld [tilespmem:s8+$0xFFFFFFC0]  }
0xe4: {  	v4 =	vld [tilespmem:s8+$0x30]  }
0xe5: {  	v5 =	vld [tilespmem:s8+$0x20]  }
0xe6: {  	v6 =	vld [tilespmem:s8+$0x10]  }
0xe7: {  	v7 =	vld [tilespmem:s8+$0x0]  }
0xe8: {  	v8 =	vld [tilespmem:s8+$0xFFFFFFF0]  }
0xe9: {  	v9 =	vld [tilespmem:s8+$0xFFFFFFE0]  }
0xea: {  	v2 =	vld [tilespmem:s8+$0xFFFFFFD0]  }
0xeb: {  	[tilespmem:v3+s3+$0x0] =	vst.idx.add.f32.msk $0xffff, v1  }
0xec: {  	[tilespmem:v4+s3+$0x0] =	vst.idx.add.f32.msk $0xffff, v1  }
0xed: {  	[tilespmem:v5+s3+$0x0] =	vst.idx.add.f32.msk $0xffff, v1  }
0xee: {  	[tilespmem:v6+s3+$0x0] =	vst.idx.add.f32.msk $0xffff, v1  }
0xef: {  	[tilespmem:v7+s3+$0x0] =	vst.idx.add.f32.msk $0xffff, v1  }
0xf0: {  	[tilespmem:v8+s3+$0x0] =	vst.idx.add.f32.msk $0xffff, v1  }
0xf1: {  	s9 =	simm.s32 $0x0;
	[tilespmem:v9+s3+$0x0] =	vst.idx.add.f32.msk $0xffff, v1  }
.LBB2_22:
0xf2: {  	s9 =	sadd.s32 $0x8, s9;
	[tilespmem:v2+s3+$0x0] =	vst.idx.add.f32.msk $0xffff, v1;
	s8 =	sadd.s32 $0x80, s8  }
0xf3: {  	v3 =	vld [tilespmem:s8+$0xFFFFFFC0];
	p0 =	slt.u32 s9, $0x1E8  }
0xf4: {  	v4 =	vld [tilespmem:s8+$0x30]  }
0xf5: {  	v5 =	vld [tilespmem:s8+$0x20]  }
0xf6: {  	v6 =	vld [tilespmem:s8+$0x10]  }
0xf7: {  	v7 =	vld [tilespmem:s8+$0x0]  }
0xf8: {  	v8 =	vld [tilespmem:s8+$0xFFFFFFF0]  }
0xf9: {  	v9 =	vld [tilespmem:s8+$0xFFFFFFE0]  }
0xfa: {  	v2 =	vld [tilespmem:s8+$0xFFFFFFD0]  }
0xfb: {  	[tilespmem:v3+s3+$0x0] =	vst.idx.add.f32.msk $0xffff, v1  }
0xfc: {  	[tilespmem:v4+s3+$0x0] =	vst.idx.add.f32.msk $0xffff, v1  }
.Ltmp10:
0xfd: {  	[tilespmem:v5+s3+$0x0] =	vst.idx.add.f32.msk $0xffff, v1;
	(pc) =	sbr.rel @p0 .LBB2_22-.Ltmp10, $4  }
0xfe: {  	[tilespmem:v6+s3+$0x0] =	vst.idx.add.f32.msk $0xffff, v1  }
0xff: {  	[tilespmem:v7+s3+$0x0] =	vst.idx.add.f32.msk $0xffff, v1  }
0x100: {  	[tilespmem:v8+s3+$0x0] =	vst.idx.add.f32.msk $0xffff, v1  }
0x101: {  	[tilespmem:v9+s3+$0x0] =	vst.idx.add.f32.msk $0xffff, v1  }
0x102: {  	_ =	sdelay $0x3  }
0x103: {  	[tilespmem:v2+s3+$0x0] =	vst.idx.add.f32.msk $0xffff, v1;
	s8 =	simm.s32 $0x0  }
.LBB2_24:
0x104: {  	s9 =	sshra.s32 s8, $0x2  }
0x105: {  	v2 =	vld [tilespmem:s9+$0x3E80];
	_ =	sdelay $0x2  }
0x106: {  	p0 =	sne.s32 s8, $0xC0  }
.Ltmp11:
0x107: {  	_ = 	snop;
	(pc) =	sbr.rel @p0 .LBB2_24-.Ltmp11, $2  }
0x108: {  	_ =	sdelay $0x2  }
0x109: {  	s8 =	sadd.s32 $0x40, s8;
	[tilespmem:v2+s3+$0x0] =	vst.idx.add.f32.msk $0xffff, v1  }
0x10a: {  	[tilespmem:s31], [sflag:$0x2] =	stream.linear.gather [hbm4b:s10+s2], $0x1F40, $0x38;
	[tilespmem:$0x1E580] =	vst v63  }
0x10b: {  	_ =	swait.ge [sflag:s5], $0x1F40  }
0x10c: {  	[sflag:s5] =	ssyncset.done $0x0  }
0x10d: {  	s8 =	simm.s32 $0x3F40;
	[sflag:s5] =	ssyncadd.s32 $0xFFFFE0C0  }
0x10e: {  	v3 =	vld [tilespmem:s8+$0xFFFFFFC0]  }
0x10f: {  	v4 =	vld [tilespmem:s8+$0x30]  }
0x110: {  	v5 =	vld [tilespmem:s8+$0x20]  }
0x111: {  	v6 =	vld [tilespmem:s8+$0x10]  }
0x112: {  	v7 =	vld [tilespmem:s8+$0x0]  }
0x113: {  	v8 =	vld [tilespmem:s8+$0xFFFFFFF0]  }
0x114: {  	v9 =	vld [tilespmem:s8+$0xFFFFFFE0]  }
0x115: {  	v2 =	vld [tilespmem:s8+$0xFFFFFFD0]  }
0x116: {  	[tilespmem:v3+s3+$0x0] =	vst.idx.add.f32.msk $0xffff, v1  }
0x117: {  	[tilespmem:v4+s3+$0x0] =	vst.idx.add.f32.msk $0xffff, v1  }
0x118: {  	[tilespmem:v5+s3+$0x0] =	vst.idx.add.f32.msk $0xffff, v1  }
0x119: {  	[tilespmem:v6+s3+$0x0] =	vst.idx.add.f32.msk $0xffff, v1  }
0x11a: {  	[tilespmem:v7+s3+$0x0] =	vst.idx.add.f32.msk $0xffff, v1  }
0x11b: {  	[tilespmem:v8+s3+$0x0] =	vst.idx.add.f32.msk $0xffff, v1  }
0x11c: {  	s9 =	simm.s32 $0x0;
	[tilespmem:v9+s3+$0x0] =	vst.idx.add.f32.msk $0xffff, v1  }
.LBB2_26:
0x11d: {  	s9 =	sadd.s32 $0x8, s9;
	[tilespmem:v2+s3+$0x0] =	vst.idx.add.f32.msk $0xffff, v1;
	s8 =	sadd.s32 $0x80, s8  }
0x11e: {  	v3 =	vld [tilespmem:s8+$0xFFFFFFC0];
	p0 =	slt.u32 s9, $0x1E8  }
0x11f: {  	v4 =	vld [tilespmem:s8+$0x30]  }
0x120: {  	v5 =	vld [tilespmem:s8+$0x20]  }
0x121: {  	v6 =	vld [tilespmem:s8+$0x10]  }
0x122: {  	v7 =	vld [tilespmem:s8+$0x0]  }
0x123: {  	v8 =	vld [tilespmem:s8+$0xFFFFFFF0]  }
0x124: {  	v9 =	vld [tilespmem:s8+$0xFFFFFFE0]  }
0x125: {  	v2 =	vld [tilespmem:s8+$0xFFFFFFD0]  }
0x126: {  	[tilespmem:v3+s3+$0x0] =	vst.idx.add.f32.msk $0xffff, v1  }
0x127: {  	[tilespmem:v4+s3+$0x0] =	vst.idx.add.f32.msk $0xffff, v1  }
.Ltmp12:
0x128: {  	[tilespmem:v5+s3+$0x0] =	vst.idx.add.f32.msk $0xffff, v1;
	(pc) =	sbr.rel @p0 .LBB2_26-.Ltmp12, $4  }
0x129: {  	[tilespmem:v6+s3+$0x0] =	vst.idx.add.f32.msk $0xffff, v1  }
0x12a: {  	[tilespmem:v7+s3+$0x0] =	vst.idx.add.f32.msk $0xffff, v1  }
0x12b: {  	[tilespmem:v8+s3+$0x0] =	vst.idx.add.f32.msk $0xffff, v1  }
0x12c: {  	[tilespmem:v9+s3+$0x0] =	vst.idx.add.f32.msk $0xffff, v1  }
0x12d: {  	_ =	sdelay $0x3  }
0x12e: {  	[tilespmem:v2+s3+$0x0] =	vst.idx.add.f32.msk $0xffff, v1;
	s8 =	simm.s32 $0x0  }
.LBB2_28:
0x12f: {  	s9 =	sshra.s32 s8, $0x2  }
0x130: {  	v2 =	vld [tilespmem:s9+$0x5E00];
	_ =	sdelay $0x2  }
0x131: {  	p0 =	sne.s32 s8, $0xC0  }
.Ltmp13:
0x132: {  	_ = 	snop;
	(pc) =	sbr.rel @p0 .LBB2_28-.Ltmp13, $2  }
0x133: {  	_ =	sdelay $0x2  }
0x134: {  	s8 =	sadd.s32 $0x40, s8;
	[tilespmem:v2+s3+$0x0] =	vst.idx.add.f32.msk $0xffff, v1  }
0x135: {  	[tilespmem:s1], [sflag:$0x3] =	stream.linear.gather [hbm4b:s11+s2], $0x1F40, $0x38;
	[tilespmem:$0x1E580] =	vst v63  }
0x136: {  	_ =	swait.ge [sflag:s0], $0x1F40  }
0x137: {  	[sflag:s0] =	ssyncset.done $0x0  }
0x138: {  	s8 =	simm.s32 $0x40;
	[sflag:s0] =	ssyncadd.s32 $0xFFFFE0C0  }
0x139: {  	v3 =	vld [tilespmem:s8+$0xFFFFFFC0]  }
0x13a: {  	v4 =	vld [tilespmem:s8+$0x30]  }
0x13b: {  	v5 =	vld [tilespmem:s8+$0x20]  }
0x13c: {  	v6 =	vld [tilespmem:s8+$0x10]  }
0x13d: {  	v7 =	vld [tilespmem:s8+$0x0]  }
0x13e: {  	v8 =	vld [tilespmem:s8+$0xFFFFFFF0]  }
0x13f: {  	v9 =	vld [tilespmem:s8+$0xFFFFFFE0]  }
0x140: {  	v2 =	vld [tilespmem:s8+$0xFFFFFFD0]  }
0x141: {  	[tilespmem:v3+s3+$0x0] =	vst.idx.add.f32.msk $0xffff, v1  }
0x142: {  	[tilespmem:v4+s3+$0x0] =	vst.idx.add.f32.msk $0xffff, v1  }
0x143: {  	[tilespmem:v5+s3+$0x0] =	vst.idx.add.f32.msk $0xffff, v1  }
0x144: {  	[tilespmem:v6+s3+$0x0] =	vst.idx.add.f32.msk $0xffff, v1  }
0x145: {  	[tilespmem:v7+s3+$0x0] =	vst.idx.add.f32.msk $0xffff, v1  }
0x146: {  	[tilespmem:v8+s3+$0x0] =	vst.idx.add.f32.msk $0xffff, v1  }
0x147: {  	s9 =	simm.s32 $0x0;
	[tilespmem:v9+s3+$0x0] =	vst.idx.add.f32.msk $0xffff, v1  }
.LBB2_30:
0x148: {  	s9 =	sadd.s32 $0x8, s9;
	[tilespmem:v2+s3+$0x0] =	vst.idx.add.f32.msk $0xffff, v1;
	s8 =	sadd.s32 $0x80, s8  }
0x149: {  	v3 =	vld [tilespmem:s8+$0xFFFFFFC0];
	p0 =	slt.u32 s9, $0x1E8  }
0x14a: {  	v4 =	vld [tilespmem:s8+$0x30]  }
0x14b: {  	v5 =	vld [tilespmem:s8+$0x20]  }
0x14c: {  	v6 =	vld [tilespmem:s8+$0x10]  }
0x14d: {  	v7 =	vld [tilespmem:s8+$0x0]  }
0x14e: {  	v8 =	vld [tilespmem:s8+$0xFFFFFFF0]  }
0x14f: {  	v9 =	vld [tilespmem:s8+$0xFFFFFFE0]  }
0x150: {  	v2 =	vld [tilespmem:s8+$0xFFFFFFD0]  }
0x151: {  	[tilespmem:v3+s3+$0x0] =	vst.idx.add.f32.msk $0xffff, v1  }
0x152: {  	[tilespmem:v4+s3+$0x0] =	vst.idx.add.f32.msk $0xffff, v1  }
.Ltmp14:
0x153: {  	[tilespmem:v5+s3+$0x0] =	vst.idx.add.f32.msk $0xffff, v1;
	(pc) =	sbr.rel @p0 .LBB2_30-.Ltmp14, $4  }
0x154: {  	[tilespmem:v6+s3+$0x0] =	vst.idx.add.f32.msk $0xffff, v1  }
0x155: {  	[tilespmem:v7+s3+$0x0] =	vst.idx.add.f32.msk $0xffff, v1  }
0x156: {  	[tilespmem:v8+s3+$0x0] =	vst.idx.add.f32.msk $0xffff, v1  }
0x157: {  	[tilespmem:v9+s3+$0x0] =	vst.idx.add.f32.msk $0xffff, v1  }
0x158: {  	_ =	sdelay $0x3  }
0x159: {  	[tilespmem:v2+s3+$0x0] =	vst.idx.add.f32.msk $0xffff, v1;
	s8 =	simm.s32 $0x0  }
.LBB2_32:
0x15a: {  	s9 =	sshra.s32 s8, $0x2  }
0x15b: {  	v2 =	vld [tilespmem:s9+$0x1F00];
	_ =	sdelay $0x2  }
0x15c: {  	p0 =	sne.s32 s8, $0xC0  }
.Ltmp15:
0x15d: {  	_ = 	snop;
	(pc) =	sbr.rel @p0 .LBB2_32-.Ltmp15, $2  }
0x15e: {  	_ =	sdelay $0x2  }
0x15f: {  	s8 =	sadd.s32 $0x40, s8;
	[tilespmem:v2+s3+$0x0] =	vst.idx.add.f32.msk $0xffff, v1  }
0x160: {  	[tilespmem:s2], [sflag:$0x1] =	stream.linear.gather [hbm4b:s12+s2], $0x1F40, $0x38;
	[tilespmem:$0x1E580] =	vst v63  }
0x161: {  	_ =	swait.ge [sflag:s4], $0x1F40  }
0x162: {  	[sflag:s4] =	ssyncset.done $0x0  }
0x163: {  	s8 =	simm.s32 $0x1FC0;
	[sflag:s4] =	ssyncadd.s32 $0xFFFFE0C0  }
0x164: {  	v3 =	vld [tilespmem:s8+$0xFFFFFFC0]  }
0x165: {  	v4 =	vld [tilespmem:s8+$0x30]  }
0x166: {  	v5 =	vld [tilespmem:s8+$0x20]  }
0x167: {  	v6 =	vld [tilespmem:s8+$0x10]  }
0x168: {  	v7 =	vld [tilespmem:s8+$0x0]  }
0x169: {  	v8 =	vld [tilespmem:s8+$0xFFFFFFF0]  }
0x16a: {  	v9 =	vld [tilespmem:s8+$0xFFFFFFE0]  }
0x16b: {  	v2 =	vld [tilespmem:s8+$0xFFFFFFD0]  }
0x16c: {  	[tilespmem:v3+s3+$0x0] =	vst.idx.add.f32.msk $0xffff, v1  }
0x16d: {  	[tilespmem:v4+s3+$0x0] =	vst.idx.add.f32.msk $0xffff, v1  }
0x16e: {  	[tilespmem:v5+s3+$0x0] =	vst.idx.add.f32.msk $0xffff, v1  }
0x16f: {  	[tilespmem:v6+s3+$0x0] =	vst.idx.add.f32.msk $0xffff, v1  }
0x170: {  	[tilespmem:v7+s3+$0x0] =	vst.idx.add.f32.msk $0xffff, v1  }
0x171: {  	[tilespmem:v8+s3+$0x0] =	vst.idx.add.f32.msk $0xffff, v1  }
0x172: {  	s9 =	simm.s32 $0x0;
	[tilespmem:v9+s3+$0x0] =	vst.idx.add.f32.msk $0xffff, v1  }
.LBB2_34:
0x173: {  	s9 =	sadd.s32 $0x8, s9;
	[tilespmem:v2+s3+$0x0] =	vst.idx.add.f32.msk $0xffff, v1;
	s8 =	sadd.s32 $0x80, s8  }
0x174: {  	v3 =	vld [tilespmem:s8+$0xFFFFFFC0];
	p0 =	slt.u32 s9, $0x1E8  }
0x175: {  	v4 =	vld [tilespmem:s8+$0x30]  }
0x176: {  	v5 =	vld [tilespmem:s8+$0x20]  }
0x177: {  	v6 =	vld [tilespmem:s8+$0x10]  }
0x178: {  	v7 =	vld [tilespmem:s8+$0x0]  }
0x179: {  	v8 =	vld [tilespmem:s8+$0xFFFFFFF0]  }
0x17a: {  	v9 =	vld [tilespmem:s8+$0xFFFFFFE0]  }
0x17b: {  	v2 =	vld [tilespmem:s8+$0xFFFFFFD0]  }
0x17c: {  	[tilespmem:v3+s3+$0x0] =	vst.idx.add.f32.msk $0xffff, v1  }
0x17d: {  	[tilespmem:v4+s3+$0x0] =	vst.idx.add.f32.msk $0xffff, v1  }
.Ltmp16:
0x17e: {  	[tilespmem:v5+s3+$0x0] =	vst.idx.add.f32.msk $0xffff, v1;
	(pc) =	sbr.rel @p0 .LBB2_34-.Ltmp16, $4  }
0x17f: {  	[tilespmem:v6+s3+$0x0] =	vst.idx.add.f32.msk $0xffff, v1  }
0x180: {  	[tilespmem:v7+s3+$0x0] =	vst.idx.add.f32.msk $0xffff, v1  }
0x181: {  	[tilespmem:v8+s3+$0x0] =	vst.idx.add.f32.msk $0xffff, v1  }
0x182: {  	[tilespmem:v9+s3+$0x0] =	vst.idx.add.f32.msk $0xffff, v1  }
0x183: {  	_ =	sdelay $0x3  }
0x184: {  	[tilespmem:v2+s3+$0x0] =	vst.idx.add.f32.msk $0xffff, v1;
	s8 =	simm.s32 $0x0  }
.LBB2_36:
0x185: {  	s9 =	sshra.s32 s8, $0x2  }
0x186: {  	v2 =	vld [tilespmem:s9+$0x3E80];
	_ =	sdelay $0x2  }
0x187: {  	p0 =	sne.s32 s8, $0xC0  }
.Ltmp17:
0x188: {  	_ = 	snop;
	(pc) =	sbr.rel @p0 .LBB2_36-.Ltmp17, $2  }
0x189: {  	_ =	sdelay $0x2  }
0x18a: {  	s8 =	sadd.s32 $0x40, s8;
	[tilespmem:v2+s3+$0x0] =	vst.idx.add.f32.msk $0xffff, v1  }
0x18b: {  	[tilespmem:s31], [sflag:$0x2] =	stream.linear.gather [hbm4b:s13+s2], $0x1F40, $0x38;
	[tilespmem:$0x1E580] =	vst v63  }
0x18c: {  	_ =	swait.ge [sflag:s5], $0x1F40  }
0x18d: {  	[sflag:s5] =	ssyncset.done $0x0  }
0x18e: {  	s8 =	simm.s32 $0x3F40;
	[sflag:s5] =	ssyncadd.s32 $0xFFFFE0C0  }
0x18f: {  	v3 =	vld [tilespmem:s8+$0xFFFFFFC0]  }
0x190: {  	v4 =	vld [tilespmem:s8+$0x30]  }
0x191: {  	v5 =	vld [tilespmem:s8+$0x20]  }
0x192: {  	v6 =	vld [tilespmem:s8+$0x10]  }
0x193: {  	v7 =	vld [tilespmem:s8+$0x0]  }
0x194: {  	v8 =	vld [tilespmem:s8+$0xFFFFFFF0]  }
0x195: {  	v9 =	vld [tilespmem:s8+$0xFFFFFFE0]  }
0x196: {  	v2 =	vld [tilespmem:s8+$0xFFFFFFD0]  }
0x197: {  	[tilespmem:v3+s3+$0x0] =	vst.idx.add.f32.msk $0xffff, v1  }
0x198: {  	[tilespmem:v4+s3+$0x0] =	vst.idx.add.f32.msk $0xffff, v1  }
0x199: {  	[tilespmem:v5+s3+$0x0] =	vst.idx.add.f32.msk $0xffff, v1  }
0x19a: {  	[tilespmem:v6+s3+$0x0] =	vst.idx.add.f32.msk $0xffff, v1  }
0x19b: {  	[tilespmem:v7+s3+$0x0] =	vst.idx.add.f32.msk $0xffff, v1  }
0x19c: {  	[tilespmem:v8+s3+$0x0] =	vst.idx.add.f32.msk $0xffff, v1  }
0x19d: {  	s9 =	simm.s32 $0x0;
	[tilespmem:v9+s3+$0x0] =	vst.idx.add.f32.msk $0xffff, v1  }
.LBB2_38:
0x19e: {  	s9 =	sadd.s32 $0x8, s9;
	[tilespmem:v2+s3+$0x0] =	vst.idx.add.f32.msk $0xffff, v1;
	s8 =	sadd.s32 $0x80, s8  }
0x19f: {  	v3 =	vld [tilespmem:s8+$0xFFFFFFC0];
	p0 =	slt.u32 s9, $0x1E8  }
0x1a0: {  	v4 =	vld [tilespmem:s8+$0x30]  }
0x1a1: {  	v5 =	vld [tilespmem:s8+$0x20]  }
0x1a2: {  	v6 =	vld [tilespmem:s8+$0x10]  }
0x1a3: {  	v7 =	vld [tilespmem:s8+$0x0]  }
0x1a4: {  	v8 =	vld [tilespmem:s8+$0xFFFFFFF0]  }
0x1a5: {  	v9 =	vld [tilespmem:s8+$0xFFFFFFE0]  }
0x1a6: {  	v2 =	vld [tilespmem:s8+$0xFFFFFFD0]  }
0x1a7: {  	[tilespmem:v3+s3+$0x0] =	vst.idx.add.f32.msk $0xffff, v1  }
0x1a8: {  	[tilespmem:v4+s3+$0x0] =	vst.idx.add.f32.msk $0xffff, v1  }
.Ltmp18:
0x1a9: {  	[tilespmem:v5+s3+$0x0] =	vst.idx.add.f32.msk $0xffff, v1;
	(pc) =	sbr.rel @p0 .LBB2_38-.Ltmp18, $4  }
0x1aa: {  	[tilespmem:v6+s3+$0x0] =	vst.idx.add.f32.msk $0xffff, v1  }
0x1ab: {  	[tilespmem:v7+s3+$0x0] =	vst.idx.add.f32.msk $0xffff, v1  }
0x1ac: {  	[tilespmem:v8+s3+$0x0] =	vst.idx.add.f32.msk $0xffff, v1  }
0x1ad: {  	[tilespmem:v9+s3+$0x0] =	vst.idx.add.f32.msk $0xffff, v1  }
0x1ae: {  	_ =	sdelay $0x3  }
0x1af: {  	[tilespmem:v2+s3+$0x0] =	vst.idx.add.f32.msk $0xffff, v1;
	s8 =	simm.s32 $0x0  }
.LBB2_40:
0x1b0: {  	s9 =	sshra.s32 s8, $0x2  }
0x1b1: {  	v2 =	vld [tilespmem:s9+$0x5E00];
	_ =	sdelay $0x2  }
0x1b2: {  	p0 =	sne.s32 s8, $0xC0  }
.Ltmp19:
0x1b3: {  	_ = 	snop;
	(pc) =	sbr.rel @p0 .LBB2_40-.Ltmp19, $2  }
0x1b4: {  	_ =	sdelay $0x2  }
0x1b5: {  	s8 =	sadd.s32 $0x40, s8;
	[tilespmem:v2+s3+$0x0] =	vst.idx.add.f32.msk $0xffff, v1  }
0x1b6: {  	[tilespmem:s1], [sflag:$0x3] =	stream.linear.gather [hbm4b:s14+s2], $0x1F40, $0x38;
	[tilespmem:$0x1E580] =	vst v63  }
0x1b7: {  	_ =	swait.ge [sflag:s0], $0x1F40  }
0x1b8: {  	[sflag:s0] =	ssyncset.done $0x0  }
0x1b9: {  	s8 =	simm.s32 $0x40;
	[sflag:s0] =	ssyncadd.s32 $0xFFFFE0C0  }
0x1ba: {  	v3 =	vld [tilespmem:s8+$0xFFFFFFC0]  }
0x1bb: {  	v4 =	vld [tilespmem:s8+$0x30]  }
0x1bc: {  	v5 =	vld [tilespmem:s8+$0x20]  }
0x1bd: {  	v6 =	vld [tilespmem:s8+$0x10]  }
0x1be: {  	v7 =	vld [tilespmem:s8+$0x0]  }
0x1bf: {  	v8 =	vld [tilespmem:s8+$0xFFFFFFF0]  }
0x1c0: {  	v9 =	vld [tilespmem:s8+$0xFFFFFFE0]  }
0x1c1: {  	v2 =	vld [tilespmem:s8+$0xFFFFFFD0]  }
0x1c2: {  	[tilespmem:v3+s3+$0x0] =	vst.idx.add.f32.msk $0xffff, v1  }
0x1c3: {  	[tilespmem:v4+s3+$0x0] =	vst.idx.add.f32.msk $0xffff, v1  }
0x1c4: {  	[tilespmem:v5+s3+$0x0] =	vst.idx.add.f32.msk $0xffff, v1  }
0x1c5: {  	[tilespmem:v6+s3+$0x0] =	vst.idx.add.f32.msk $0xffff, v1  }
0x1c6: {  	[tilespmem:v7+s3+$0x0] =	vst.idx.add.f32.msk $0xffff, v1  }
0x1c7: {  	[tilespmem:v8+s3+$0x0] =	vst.idx.add.f32.msk $0xffff, v1  }
0x1c8: {  	s9 =	simm.s32 $0x0;
	[tilespmem:v9+s3+$0x0] =	vst.idx.add.f32.msk $0xffff, v1  }
.LBB2_42:
0x1c9: {  	s9 =	sadd.s32 $0x8, s9;
	[tilespmem:v2+s3+$0x0] =	vst.idx.add.f32.msk $0xffff, v1;
	s8 =	sadd.s32 $0x80, s8  }
0x1ca: {  	v3 =	vld [tilespmem:s8+$0xFFFFFFC0];
	p0 =	slt.u32 s9, $0x1E8  }
0x1cb: {  	v4 =	vld [tilespmem:s8+$0x30]  }
0x1cc: {  	v5 =	vld [tilespmem:s8+$0x20]  }
0x1cd: {  	v6 =	vld [tilespmem:s8+$0x10]  }
0x1ce: {  	v7 =	vld [tilespmem:s8+$0x0]  }
0x1cf: {  	v8 =	vld [tilespmem:s8+$0xFFFFFFF0]  }
0x1d0: {  	v9 =	vld [tilespmem:s8+$0xFFFFFFE0]  }
0x1d1: {  	v2 =	vld [tilespmem:s8+$0xFFFFFFD0]  }
0x1d2: {  	[tilespmem:v3+s3+$0x0] =	vst.idx.add.f32.msk $0xffff, v1  }
0x1d3: {  	[tilespmem:v4+s3+$0x0] =	vst.idx.add.f32.msk $0xffff, v1  }
.Ltmp20:
0x1d4: {  	[tilespmem:v5+s3+$0x0] =	vst.idx.add.f32.msk $0xffff, v1;
	(pc) =	sbr.rel @p0 .LBB2_42-.Ltmp20, $4  }
0x1d5: {  	[tilespmem:v6+s3+$0x0] =	vst.idx.add.f32.msk $0xffff, v1  }
0x1d6: {  	[tilespmem:v7+s3+$0x0] =	vst.idx.add.f32.msk $0xffff, v1  }
0x1d7: {  	[tilespmem:v8+s3+$0x0] =	vst.idx.add.f32.msk $0xffff, v1  }
0x1d8: {  	[tilespmem:v9+s3+$0x0] =	vst.idx.add.f32.msk $0xffff, v1  }
0x1d9: {  	_ =	sdelay $0x3  }
0x1da: {  	[tilespmem:v2+s3+$0x0] =	vst.idx.add.f32.msk $0xffff, v1;
	s8 =	simm.s32 $0x0  }
.LBB2_44:
0x1db: {  	s9 =	sshra.s32 s8, $0x2  }
0x1dc: {  	v2 =	vld [tilespmem:s9+$0x1F00];
	_ =	sdelay $0x2  }
0x1dd: {  	p0 =	sne.s32 s8, $0xC0  }
.Ltmp21:
0x1de: {  	_ = 	snop;
	(pc) =	sbr.rel @p0 .LBB2_44-.Ltmp21, $2  }
0x1df: {  	_ =	sdelay $0x2  }
0x1e0: {  	s8 =	sadd.s32 $0x40, s8;
	[tilespmem:v2+s3+$0x0] =	vst.idx.add.f32.msk $0xffff, v1  }
0x1e1: {  	[tilespmem:s2], [sflag:$0x1] =	stream.linear.gather [hbm4b:s15+s2], $0x1F40, $0x38;
	[tilespmem:$0x1E580] =	vst v63  }
0x1e2: {  	_ =	swait.ge [sflag:s4], $0x1F40  }
0x1e3: {  	[sflag:s4] =	ssyncset.done $0x0  }
0x1e4: {  	s8 =	simm.s32 $0x1FC0;
	[sflag:s4] =	ssyncadd.s32 $0xFFFFE0C0  }
0x1e5: {  	v3 =	vld [tilespmem:s8+$0xFFFFFFC0]  }
0x1e6: {  	v4 =	vld [tilespmem:s8+$0x30]  }
0x1e7: {  	v5 =	vld [tilespmem:s8+$0x20]  }
0x1e8: {  	v6 =	vld [tilespmem:s8+$0x10]  }
0x1e9: {  	v7 =	vld [tilespmem:s8+$0x0]  }
0x1ea: {  	v8 =	vld [tilespmem:s8+$0xFFFFFFF0]  }
0x1eb: {  	v9 =	vld [tilespmem:s8+$0xFFFFFFE0]  }
0x1ec: {  	v2 =	vld [tilespmem:s8+$0xFFFFFFD0]  }
0x1ed: {  	[tilespmem:v3+s3+$0x0] =	vst.idx.add.f32.msk $0xffff, v1  }
0x1ee: {  	[tilespmem:v4+s3+$0x0] =	vst.idx.add.f32.msk $0xffff, v1  }
0x1ef: {  	[tilespmem:v5+s3+$0x0] =	vst.idx.add.f32.msk $0xffff, v1  }
0x1f0: {  	[tilespmem:v6+s3+$0x0] =	vst.idx.add.f32.msk $0xffff, v1  }
0x1f1: {  	[tilespmem:v7+s3+$0x0] =	vst.idx.add.f32.msk $0xffff, v1  }
0x1f2: {  	[tilespmem:v8+s3+$0x0] =	vst.idx.add.f32.msk $0xffff, v1  }
0x1f3: {  	s9 =	simm.s32 $0x0;
	[tilespmem:v9+s3+$0x0] =	vst.idx.add.f32.msk $0xffff, v1  }
.LBB2_46:
0x1f4: {  	s9 =	sadd.s32 $0x8, s9;
	[tilespmem:v2+s3+$0x0] =	vst.idx.add.f32.msk $0xffff, v1;
	s8 =	sadd.s32 $0x80, s8  }
0x1f5: {  	v3 =	vld [tilespmem:s8+$0xFFFFFFC0];
	p0 =	slt.u32 s9, $0x1E8  }
0x1f6: {  	v4 =	vld [tilespmem:s8+$0x30]  }
0x1f7: {  	v5 =	vld [tilespmem:s8+$0x20]  }
0x1f8: {  	v6 =	vld [tilespmem:s8+$0x10]  }
0x1f9: {  	v7 =	vld [tilespmem:s8+$0x0]  }
0x1fa: {  	v8 =	vld [tilespmem:s8+$0xFFFFFFF0]  }
0x1fb: {  	v9 =	vld [tilespmem:s8+$0xFFFFFFE0]  }
0x1fc: {  	v2 =	vld [tilespmem:s8+$0xFFFFFFD0]  }
0x1fd: {  	[tilespmem:v3+s3+$0x0] =	vst.idx.add.f32.msk $0xffff, v1  }
0x1fe: {  	[tilespmem:v4+s3+$0x0] =	vst.idx.add.f32.msk $0xffff, v1  }
.Ltmp22:
0x1ff: {  	[tilespmem:v5+s3+$0x0] =	vst.idx.add.f32.msk $0xffff, v1;
	(pc) =	sbr.rel @p0 .LBB2_46-.Ltmp22, $4  }
0x200: {  	[tilespmem:v6+s3+$0x0] =	vst.idx.add.f32.msk $0xffff, v1  }
0x201: {  	[tilespmem:v7+s3+$0x0] =	vst.idx.add.f32.msk $0xffff, v1  }
0x202: {  	[tilespmem:v8+s3+$0x0] =	vst.idx.add.f32.msk $0xffff, v1  }
0x203: {  	[tilespmem:v9+s3+$0x0] =	vst.idx.add.f32.msk $0xffff, v1  }
0x204: {  	_ =	sdelay $0x3  }
0x205: {  	[tilespmem:v2+s3+$0x0] =	vst.idx.add.f32.msk $0xffff, v1;
	s8 =	simm.s32 $0x0  }
.LBB2_48:
0x206: {  	s9 =	sshra.s32 s8, $0x2  }
0x207: {  	v2 =	vld [tilespmem:s9+$0x3E80];
	_ =	sdelay $0x2  }
0x208: {  	p0 =	sne.s32 s8, $0xC0  }
.Ltmp23:
0x209: {  	_ = 	snop;
	(pc) =	sbr.rel @p0 .LBB2_48-.Ltmp23, $2  }
0x20a: {  	_ =	sdelay $0x2  }
0x20b: {  	s8 =	sadd.s32 $0x40, s8;
	[tilespmem:v2+s3+$0x0] =	vst.idx.add.f32.msk $0xffff, v1  }
0x20c: {  	[tilespmem:s31], [sflag:$0x2] =	stream.linear.gather [hbm4b:s16+s2], $0x1F40, $0x38;
	[tilespmem:$0x1E580] =	vst v63  }
0x20d: {  	_ =	swait.ge [sflag:s5], $0x1F40  }
0x20e: {  	[sflag:s5] =	ssyncset.done $0x0  }
0x20f: {  	s8 =	simm.s32 $0x3F40;
	[sflag:s5] =	ssyncadd.s32 $0xFFFFE0C0  }
0x210: {  	v3 =	vld [tilespmem:s8+$0xFFFFFFC0]  }
0x211: {  	v4 =	vld [tilespmem:s8+$0x30]  }
0x212: {  	v5 =	vld [tilespmem:s8+$0x20]  }
0x213: {  	v6 =	vld [tilespmem:s8+$0x10]  }
0x214: {  	v7 =	vld [tilespmem:s8+$0x0]  }
0x215: {  	v8 =	vld [tilespmem:s8+$0xFFFFFFF0]  }
0x216: {  	v9 =	vld [tilespmem:s8+$0xFFFFFFE0]  }
0x217: {  	v2 =	vld [tilespmem:s8+$0xFFFFFFD0]  }
0x218: {  	[tilespmem:v3+s3+$0x0] =	vst.idx.add.f32.msk $0xffff, v1  }
0x219: {  	[tilespmem:v4+s3+$0x0] =	vst.idx.add.f32.msk $0xffff, v1  }
0x21a: {  	[tilespmem:v5+s3+$0x0] =	vst.idx.add.f32.msk $0xffff, v1  }
0x21b: {  	[tilespmem:v6+s3+$0x0] =	vst.idx.add.f32.msk $0xffff, v1  }
0x21c: {  	[tilespmem:v7+s3+$0x0] =	vst.idx.add.f32.msk $0xffff, v1  }
0x21d: {  	[tilespmem:v8+s3+$0x0] =	vst.idx.add.f32.msk $0xffff, v1  }
0x21e: {  	s9 =	simm.s32 $0x0;
	[tilespmem:v9+s3+$0x0] =	vst.idx.add.f32.msk $0xffff, v1  }
.LBB2_50:
0x21f: {  	s9 =	sadd.s32 $0x8, s9;
	[tilespmem:v2+s3+$0x0] =	vst.idx.add.f32.msk $0xffff, v1;
	s8 =	sadd.s32 $0x80, s8  }
0x220: {  	v3 =	vld [tilespmem:s8+$0xFFFFFFC0];
	p0 =	slt.u32 s9, $0x1E8  }
0x221: {  	v4 =	vld [tilespmem:s8+$0x30]  }
0x222: {  	v5 =	vld [tilespmem:s8+$0x20]  }
0x223: {  	v6 =	vld [tilespmem:s8+$0x10]  }
0x224: {  	v7 =	vld [tilespmem:s8+$0x0]  }
0x225: {  	v8 =	vld [tilespmem:s8+$0xFFFFFFF0]  }
0x226: {  	v9 =	vld [tilespmem:s8+$0xFFFFFFE0]  }
0x227: {  	v2 =	vld [tilespmem:s8+$0xFFFFFFD0]  }
0x228: {  	[tilespmem:v3+s3+$0x0] =	vst.idx.add.f32.msk $0xffff, v1  }
0x229: {  	[tilespmem:v4+s3+$0x0] =	vst.idx.add.f32.msk $0xffff, v1  }
.Ltmp24:
0x22a: {  	[tilespmem:v5+s3+$0x0] =	vst.idx.add.f32.msk $0xffff, v1;
	(pc) =	sbr.rel @p0 .LBB2_50-.Ltmp24, $4  }
0x22b: {  	[tilespmem:v6+s3+$0x0] =	vst.idx.add.f32.msk $0xffff, v1  }
0x22c: {  	[tilespmem:v7+s3+$0x0] =	vst.idx.add.f32.msk $0xffff, v1  }
0x22d: {  	[tilespmem:v8+s3+$0x0] =	vst.idx.add.f32.msk $0xffff, v1  }
0x22e: {  	[tilespmem:v9+s3+$0x0] =	vst.idx.add.f32.msk $0xffff, v1  }
0x22f: {  	_ =	sdelay $0x3  }
0x230: {  	[tilespmem:v2+s3+$0x0] =	vst.idx.add.f32.msk $0xffff, v1;
	s8 =	simm.s32 $0x0  }
.LBB2_52:
0x231: {  	s9 =	sshra.s32 s8, $0x2  }
0x232: {  	v2 =	vld [tilespmem:s9+$0x5E00];
	_ =	sdelay $0x2  }
0x233: {  	p0 =	sne.s32 s8, $0xC0  }
.Ltmp25:
0x234: {  	_ = 	snop;
	(pc) =	sbr.rel @p0 .LBB2_52-.Ltmp25, $2  }
0x235: {  	_ =	sdelay $0x2  }
0x236: {  	s8 =	sadd.s32 $0x40, s8;
	[tilespmem:v2+s3+$0x0] =	vst.idx.add.f32.msk $0xffff, v1  }
0x237: {  	[tilespmem:s1], [sflag:$0x3] =	stream.linear.gather [hbm4b:s17+s2], $0x1F40, $0x38;
	[tilespmem:$0x1E580] =	vst v63  }
0x238: {  	_ =	swait.ge [sflag:s0], $0x1F40  }
0x239: {  	[sflag:s0] =	ssyncset.done $0x0  }
0x23a: {  	s8 =	simm.s32 $0x40;
	[sflag:s0] =	ssyncadd.s32 $0xFFFFE0C0  }
0x23b: {  	v3 =	vld [tilespmem:s8+$0xFFFFFFC0]  }
0x23c: {  	v4 =	vld [tilespmem:s8+$0x30]  }
0x23d: {  	v5 =	vld [tilespmem:s8+$0x20]  }
0x23e: {  	v6 =	vld [tilespmem:s8+$0x10]  }
0x23f: {  	v7 =	vld [tilespmem:s8+$0x0]  }
0x240: {  	v8 =	vld [tilespmem:s8+$0xFFFFFFF0]  }
0x241: {  	v9 =	vld [tilespmem:s8+$0xFFFFFFE0]  }
0x242: {  	v2 =	vld [tilespmem:s8+$0xFFFFFFD0]  }
0x243: {  	[tilespmem:v3+s3+$0x0] =	vst.idx.add.f32.msk $0xffff, v1  }
0x244: {  	[tilespmem:v4+s3+$0x0] =	vst.idx.add.f32.msk $0xffff, v1  }
0x245: {  	[tilespmem:v5+s3+$0x0] =	vst.idx.add.f32.msk $0xffff, v1  }
0x246: {  	[tilespmem:v6+s3+$0x0] =	vst.idx.add.f32.msk $0xffff, v1  }
0x247: {  	[tilespmem:v7+s3+$0x0] =	vst.idx.add.f32.msk $0xffff, v1  }
0x248: {  	[tilespmem:v8+s3+$0x0] =	vst.idx.add.f32.msk $0xffff, v1  }
0x249: {  	s9 =	simm.s32 $0x0;
	[tilespmem:v9+s3+$0x0] =	vst.idx.add.f32.msk $0xffff, v1  }
.LBB2_54:
0x24a: {  	s9 =	sadd.s32 $0x8, s9;
	[tilespmem:v2+s3+$0x0] =	vst.idx.add.f32.msk $0xffff, v1;
	s8 =	sadd.s32 $0x80, s8  }
0x24b: {  	v3 =	vld [tilespmem:s8+$0xFFFFFFC0];
	p0 =	slt.u32 s9, $0x1E8  }
0x24c: {  	v4 =	vld [tilespmem:s8+$0x30]  }
0x24d: {  	v5 =	vld [tilespmem:s8+$0x20]  }
0x24e: {  	v6 =	vld [tilespmem:s8+$0x10]  }
0x24f: {  	v7 =	vld [tilespmem:s8+$0x0]  }
0x250: {  	v8 =	vld [tilespmem:s8+$0xFFFFFFF0]  }
0x251: {  	v9 =	vld [tilespmem:s8+$0xFFFFFFE0]  }
0x252: {  	v2 =	vld [tilespmem:s8+$0xFFFFFFD0]  }
0x253: {  	[tilespmem:v3+s3+$0x0] =	vst.idx.add.f32.msk $0xffff, v1  }
0x254: {  	[tilespmem:v4+s3+$0x0] =	vst.idx.add.f32.msk $0xffff, v1  }
.Ltmp26:
0x255: {  	[tilespmem:v5+s3+$0x0] =	vst.idx.add.f32.msk $0xffff, v1;
	(pc) =	sbr.rel @p0 .LBB2_54-.Ltmp26, $4  }
0x256: {  	[tilespmem:v6+s3+$0x0] =	vst.idx.add.f32.msk $0xffff, v1  }
0x257: {  	[tilespmem:v7+s3+$0x0] =	vst.idx.add.f32.msk $0xffff, v1  }
0x258: {  	[tilespmem:v8+s3+$0x0] =	vst.idx.add.f32.msk $0xffff, v1  }
0x259: {  	[tilespmem:v9+s3+$0x0] =	vst.idx.add.f32.msk $0xffff, v1  }
0x25a: {  	_ =	sdelay $0x3  }
0x25b: {  	[tilespmem:v2+s3+$0x0] =	vst.idx.add.f32.msk $0xffff, v1;
	s8 =	simm.s32 $0x0  }
.LBB2_56:
0x25c: {  	s9 =	sshra.s32 s8, $0x2  }
0x25d: {  	v2 =	vld [tilespmem:s9+$0x1F00];
	_ =	sdelay $0x2  }
0x25e: {  	p0 =	sne.s32 s8, $0xC0  }
.Ltmp27:
0x25f: {  	_ = 	snop;
	(pc) =	sbr.rel @p0 .LBB2_56-.Ltmp27, $2  }
0x260: {  	_ =	sdelay $0x2  }
0x261: {  	s8 =	sadd.s32 $0x40, s8;
	[tilespmem:v2+s3+$0x0] =	vst.idx.add.f32.msk $0xffff, v1  }
0x262: {  	[tilespmem:s2], [sflag:$0x1] =	stream.linear.gather [hbm4b:s18+s2], $0x1F40, $0x38;
	[tilespmem:$0x1E580] =	vst v63  }
0x263: {  	_ =	swait.ge [sflag:s4], $0x1F40  }
0x264: {  	[sflag:s4] =	ssyncset.done $0x0  }
0x265: {  	s8 =	simm.s32 $0x1FC0;
	[sflag:s4] =	ssyncadd.s32 $0xFFFFE0C0  }
0x266: {  	v3 =	vld [tilespmem:s8+$0xFFFFFFC0]  }
0x267: {  	v4 =	vld [tilespmem:s8+$0x30]  }
0x268: {  	v5 =	vld [tilespmem:s8+$0x20]  }
0x269: {  	v6 =	vld [tilespmem:s8+$0x10]  }
0x26a: {  	v7 =	vld [tilespmem:s8+$0x0]  }
0x26b: {  	v8 =	vld [tilespmem:s8+$0xFFFFFFF0]  }
0x26c: {  	v9 =	vld [tilespmem:s8+$0xFFFFFFE0]  }
0x26d: {  	v2 =	vld [tilespmem:s8+$0xFFFFFFD0]  }
0x26e: {  	[tilespmem:v3+s3+$0x0] =	vst.idx.add.f32.msk $0xffff, v1  }
0x26f: {  	[tilespmem:v4+s3+$0x0] =	vst.idx.add.f32.msk $0xffff, v1  }
0x270: {  	[tilespmem:v5+s3+$0x0] =	vst.idx.add.f32.msk $0xffff, v1  }
0x271: {  	[tilespmem:v6+s3+$0x0] =	vst.idx.add.f32.msk $0xffff, v1  }
0x272: {  	[tilespmem:v7+s3+$0x0] =	vst.idx.add.f32.msk $0xffff, v1  }
0x273: {  	[tilespmem:v8+s3+$0x0] =	vst.idx.add.f32.msk $0xffff, v1  }
0x274: {  	s9 =	simm.s32 $0x0;
	[tilespmem:v9+s3+$0x0] =	vst.idx.add.f32.msk $0xffff, v1  }
.LBB2_58:
0x275: {  	s9 =	sadd.s32 $0x8, s9;
	[tilespmem:v2+s3+$0x0] =	vst.idx.add.f32.msk $0xffff, v1;
	s8 =	sadd.s32 $0x80, s8  }
0x276: {  	v3 =	vld [tilespmem:s8+$0xFFFFFFC0];
	p0 =	slt.u32 s9, $0x1E8  }
0x277: {  	v4 =	vld [tilespmem:s8+$0x30]  }
0x278: {  	v5 =	vld [tilespmem:s8+$0x20]  }
0x279: {  	v6 =	vld [tilespmem:s8+$0x10]  }
0x27a: {  	v7 =	vld [tilespmem:s8+$0x0]  }
0x27b: {  	v8 =	vld [tilespmem:s8+$0xFFFFFFF0]  }
0x27c: {  	v9 =	vld [tilespmem:s8+$0xFFFFFFE0]  }
0x27d: {  	v2 =	vld [tilespmem:s8+$0xFFFFFFD0]  }
0x27e: {  	[tilespmem:v3+s3+$0x0] =	vst.idx.add.f32.msk $0xffff, v1  }
0x27f: {  	[tilespmem:v4+s3+$0x0] =	vst.idx.add.f32.msk $0xffff, v1  }
.Ltmp28:
0x280: {  	[tilespmem:v5+s3+$0x0] =	vst.idx.add.f32.msk $0xffff, v1;
	(pc) =	sbr.rel @p0 .LBB2_58-.Ltmp28, $4  }
0x281: {  	[tilespmem:v6+s3+$0x0] =	vst.idx.add.f32.msk $0xffff, v1  }
0x282: {  	[tilespmem:v7+s3+$0x0] =	vst.idx.add.f32.msk $0xffff, v1  }
0x283: {  	[tilespmem:v8+s3+$0x0] =	vst.idx.add.f32.msk $0xffff, v1  }
0x284: {  	[tilespmem:v9+s3+$0x0] =	vst.idx.add.f32.msk $0xffff, v1  }
0x285: {  	_ =	sdelay $0x3  }
0x286: {  	[tilespmem:v2+s3+$0x0] =	vst.idx.add.f32.msk $0xffff, v1;
	s8 =	simm.s32 $0x0  }
.LBB2_60:
0x287: {  	s9 =	sshra.s32 s8, $0x2  }
0x288: {  	v2 =	vld [tilespmem:s9+$0x3E80];
	_ =	sdelay $0x2  }
0x289: {  	p0 =	sne.s32 s8, $0xC0  }
.Ltmp29:
0x28a: {  	_ = 	snop;
	(pc) =	sbr.rel @p0 .LBB2_60-.Ltmp29, $2  }
0x28b: {  	_ =	sdelay $0x2  }
0x28c: {  	s8 =	sadd.s32 $0x40, s8;
	[tilespmem:v2+s3+$0x0] =	vst.idx.add.f32.msk $0xffff, v1  }
0x28d: {  	[tilespmem:s31], [sflag:$0x2] =	stream.linear.gather [hbm4b:s19+s2], $0x1F40, $0x38;
	[tilespmem:$0x1E580] =	vst v63  }
0x28e: {  	_ =	swait.ge [sflag:s5], $0x1F40  }
0x28f: {  	[sflag:s5] =	ssyncset.done $0x0  }
0x290: {  	s8 =	simm.s32 $0x3F40;
	[sflag:s5] =	ssyncadd.s32 $0xFFFFE0C0  }
0x291: {  	v3 =	vld [tilespmem:s8+$0xFFFFFFC0]  }
0x292: {  	v4 =	vld [tilespmem:s8+$0x30]  }
0x293: {  	v5 =	vld [tilespmem:s8+$0x20]  }
0x294: {  	v6 =	vld [tilespmem:s8+$0x10]  }
0x295: {  	v7 =	vld [tilespmem:s8+$0x0]  }
0x296: {  	v8 =	vld [tilespmem:s8+$0xFFFFFFF0]  }
0x297: {  	v9 =	vld [tilespmem:s8+$0xFFFFFFE0]  }
0x298: {  	v2 =	vld [tilespmem:s8+$0xFFFFFFD0]  }
0x299: {  	[tilespmem:v3+s3+$0x0] =	vst.idx.add.f32.msk $0xffff, v1  }
0x29a: {  	[tilespmem:v4+s3+$0x0] =	vst.idx.add.f32.msk $0xffff, v1  }
0x29b: {  	[tilespmem:v5+s3+$0x0] =	vst.idx.add.f32.msk $0xffff, v1  }
0x29c: {  	[tilespmem:v6+s3+$0x0] =	vst.idx.add.f32.msk $0xffff, v1  }
0x29d: {  	[tilespmem:v7+s3+$0x0] =	vst.idx.add.f32.msk $0xffff, v1  }
0x29e: {  	[tilespmem:v8+s3+$0x0] =	vst.idx.add.f32.msk $0xffff, v1  }
0x29f: {  	s9 =	simm.s32 $0x0;
	[tilespmem:v9+s3+$0x0] =	vst.idx.add.f32.msk $0xffff, v1  }
.LBB2_62:
0x2a0: {  	s9 =	sadd.s32 $0x8, s9;
	[tilespmem:v2+s3+$0x0] =	vst.idx.add.f32.msk $0xffff, v1;
	s8 =	sadd.s32 $0x80, s8  }
0x2a1: {  	v3 =	vld [tilespmem:s8+$0xFFFFFFC0];
	p0 =	slt.u32 s9, $0x1E8  }
0x2a2: {  	v4 =	vld [tilespmem:s8+$0x30]  }
0x2a3: {  	v5 =	vld [tilespmem:s8+$0x20]  }
0x2a4: {  	v6 =	vld [tilespmem:s8+$0x10]  }
0x2a5: {  	v7 =	vld [tilespmem:s8+$0x0]  }
0x2a6: {  	v8 =	vld [tilespmem:s8+$0xFFFFFFF0]  }
0x2a7: {  	v9 =	vld [tilespmem:s8+$0xFFFFFFE0]  }
0x2a8: {  	v2 =	vld [tilespmem:s8+$0xFFFFFFD0]  }
0x2a9: {  	[tilespmem:v3+s3+$0x0] =	vst.idx.add.f32.msk $0xffff, v1  }
0x2aa: {  	[tilespmem:v4+s3+$0x0] =	vst.idx.add.f32.msk $0xffff, v1  }
.Ltmp30:
0x2ab: {  	[tilespmem:v5+s3+$0x0] =	vst.idx.add.f32.msk $0xffff, v1;
	(pc) =	sbr.rel @p0 .LBB2_62-.Ltmp30, $4  }
0x2ac: {  	[tilespmem:v6+s3+$0x0] =	vst.idx.add.f32.msk $0xffff, v1  }
0x2ad: {  	[tilespmem:v7+s3+$0x0] =	vst.idx.add.f32.msk $0xffff, v1  }
0x2ae: {  	[tilespmem:v8+s3+$0x0] =	vst.idx.add.f32.msk $0xffff, v1  }
0x2af: {  	[tilespmem:v9+s3+$0x0] =	vst.idx.add.f32.msk $0xffff, v1  }
0x2b0: {  	_ =	sdelay $0x3  }
0x2b1: {  	[tilespmem:v2+s3+$0x0] =	vst.idx.add.f32.msk $0xffff, v1;
	s8 =	simm.s32 $0x0  }
.LBB2_64:
0x2b2: {  	s9 =	sshra.s32 s8, $0x2  }
0x2b3: {  	v2 =	vld [tilespmem:s9+$0x5E00];
	_ =	sdelay $0x2  }
0x2b4: {  	p0 =	sne.s32 s8, $0xC0  }
.Ltmp31:
0x2b5: {  	_ = 	snop;
	(pc) =	sbr.rel @p0 .LBB2_64-.Ltmp31, $2  }
0x2b6: {  	_ =	sdelay $0x2  }
0x2b7: {  	s8 =	sadd.s32 $0x40, s8;
	[tilespmem:v2+s3+$0x0] =	vst.idx.add.f32.msk $0xffff, v1  }
0x2b8: {  	[tilespmem:s1], [sflag:$0x3] =	stream.linear.gather [hbm4b:s20+s2], $0x1F40, $0x38;
	[tilespmem:$0x1E580] =	vst v63  }
0x2b9: {  	_ =	swait.ge [sflag:s0], $0x1F40  }
0x2ba: {  	[sflag:s0] =	ssyncset.done $0x0  }
0x2bb: {  	s8 =	simm.s32 $0x40;
	[sflag:s0] =	ssyncadd.s32 $0xFFFFE0C0  }
0x2bc: {  	v3 =	vld [tilespmem:s8+$0xFFFFFFC0]  }
0x2bd: {  	v4 =	vld [tilespmem:s8+$0x30]  }
0x2be: {  	v5 =	vld [tilespmem:s8+$0x20]  }
0x2bf: {  	v6 =	vld [tilespmem:s8+$0x10]  }
0x2c0: {  	v7 =	vld [tilespmem:s8+$0x0]  }
0x2c1: {  	v8 =	vld [tilespmem:s8+$0xFFFFFFF0]  }
0x2c2: {  	v9 =	vld [tilespmem:s8+$0xFFFFFFE0]  }
0x2c3: {  	v2 =	vld [tilespmem:s8+$0xFFFFFFD0]  }
0x2c4: {  	[tilespmem:v3+s3+$0x0] =	vst.idx.add.f32.msk $0xffff, v1  }
0x2c5: {  	[tilespmem:v4+s3+$0x0] =	vst.idx.add.f32.msk $0xffff, v1  }
0x2c6: {  	[tilespmem:v5+s3+$0x0] =	vst.idx.add.f32.msk $0xffff, v1  }
0x2c7: {  	[tilespmem:v6+s3+$0x0] =	vst.idx.add.f32.msk $0xffff, v1  }
0x2c8: {  	[tilespmem:v7+s3+$0x0] =	vst.idx.add.f32.msk $0xffff, v1  }
0x2c9: {  	[tilespmem:v8+s3+$0x0] =	vst.idx.add.f32.msk $0xffff, v1  }
0x2ca: {  	s9 =	simm.s32 $0x0;
	[tilespmem:v9+s3+$0x0] =	vst.idx.add.f32.msk $0xffff, v1  }
.LBB2_66:
0x2cb: {  	s9 =	sadd.s32 $0x8, s9;
	[tilespmem:v2+s3+$0x0] =	vst.idx.add.f32.msk $0xffff, v1;
	s8 =	sadd.s32 $0x80, s8  }
0x2cc: {  	v3 =	vld [tilespmem:s8+$0xFFFFFFC0];
	p0 =	slt.u32 s9, $0x1E8  }
0x2cd: {  	v4 =	vld [tilespmem:s8+$0x30]  }
0x2ce: {  	v5 =	vld [tilespmem:s8+$0x20]  }
0x2cf: {  	v6 =	vld [tilespmem:s8+$0x10]  }
0x2d0: {  	v7 =	vld [tilespmem:s8+$0x0]  }
0x2d1: {  	v8 =	vld [tilespmem:s8+$0xFFFFFFF0]  }
0x2d2: {  	v9 =	vld [tilespmem:s8+$0xFFFFFFE0]  }
0x2d3: {  	v2 =	vld [tilespmem:s8+$0xFFFFFFD0]  }
0x2d4: {  	[tilespmem:v3+s3+$0x0] =	vst.idx.add.f32.msk $0xffff, v1  }
0x2d5: {  	[tilespmem:v4+s3+$0x0] =	vst.idx.add.f32.msk $0xffff, v1  }
.Ltmp32:
0x2d6: {  	[tilespmem:v5+s3+$0x0] =	vst.idx.add.f32.msk $0xffff, v1;
	(pc) =	sbr.rel @p0 .LBB2_66-.Ltmp32, $4  }
0x2d7: {  	[tilespmem:v6+s3+$0x0] =	vst.idx.add.f32.msk $0xffff, v1  }
0x2d8: {  	[tilespmem:v7+s3+$0x0] =	vst.idx.add.f32.msk $0xffff, v1  }
0x2d9: {  	[tilespmem:v8+s3+$0x0] =	vst.idx.add.f32.msk $0xffff, v1  }
0x2da: {  	[tilespmem:v9+s3+$0x0] =	vst.idx.add.f32.msk $0xffff, v1  }
0x2db: {  	_ =	sdelay $0x3  }
0x2dc: {  	[tilespmem:v2+s3+$0x0] =	vst.idx.add.f32.msk $0xffff, v1;
	s8 =	simm.s32 $0x0  }
.LBB2_68:
0x2dd: {  	s9 =	sshra.s32 s8, $0x2  }
0x2de: {  	v2 =	vld [tilespmem:s9+$0x1F00];
	_ =	sdelay $0x2  }
0x2df: {  	p0 =	sne.s32 s8, $0xC0  }
.Ltmp33:
0x2e0: {  	_ = 	snop;
	(pc) =	sbr.rel @p0 .LBB2_68-.Ltmp33, $2  }
0x2e1: {  	_ =	sdelay $0x2  }
0x2e2: {  	s8 =	sadd.s32 $0x40, s8;
	[tilespmem:v2+s3+$0x0] =	vst.idx.add.f32.msk $0xffff, v1  }
0x2e3: {  	[tilespmem:s2], [sflag:$0x1] =	stream.linear.gather [hbm4b:s21+s2], $0x1F40, $0x38;
	[tilespmem:$0x1E580] =	vst v63  }
0x2e4: {  	_ =	swait.ge [sflag:s4], $0x1F40  }
0x2e5: {  	[sflag:s4] =	ssyncset.done $0x0  }
0x2e6: {  	s8 =	simm.s32 $0x1FC0;
	[sflag:s4] =	ssyncadd.s32 $0xFFFFE0C0  }
0x2e7: {  	v3 =	vld [tilespmem:s8+$0xFFFFFFC0]  }
0x2e8: {  	v4 =	vld [tilespmem:s8+$0x30]  }
0x2e9: {  	v5 =	vld [tilespmem:s8+$0x20]  }
0x2ea: {  	v6 =	vld [tilespmem:s8+$0x10]  }
0x2eb: {  	v7 =	vld [tilespmem:s8+$0x0]  }
0x2ec: {  	v8 =	vld [tilespmem:s8+$0xFFFFFFF0]  }
0x2ed: {  	v9 =	vld [tilespmem:s8+$0xFFFFFFE0]  }
0x2ee: {  	v2 =	vld [tilespmem:s8+$0xFFFFFFD0]  }
0x2ef: {  	[tilespmem:v3+s3+$0x0] =	vst.idx.add.f32.msk $0xffff, v1  }
0x2f0: {  	[tilespmem:v4+s3+$0x0] =	vst.idx.add.f32.msk $0xffff, v1  }
0x2f1: {  	[tilespmem:v5+s3+$0x0] =	vst.idx.add.f32.msk $0xffff, v1  }
0x2f2: {  	[tilespmem:v6+s3+$0x0] =	vst.idx.add.f32.msk $0xffff, v1  }
0x2f3: {  	[tilespmem:v7+s3+$0x0] =	vst.idx.add.f32.msk $0xffff, v1  }
0x2f4: {  	[tilespmem:v8+s3+$0x0] =	vst.idx.add.f32.msk $0xffff, v1  }
0x2f5: {  	s9 =	simm.s32 $0x0;
	[tilespmem:v9+s3+$0x0] =	vst.idx.add.f32.msk $0xffff, v1  }
.LBB2_70:
0x2f6: {  	s9 =	sadd.s32 $0x8, s9;
	[tilespmem:v2+s3+$0x0] =	vst.idx.add.f32.msk $0xffff, v1;
	s8 =	sadd.s32 $0x80, s8  }
0x2f7: {  	v3 =	vld [tilespmem:s8+$0xFFFFFFC0];
	p0 =	slt.u32 s9, $0x1E8  }
0x2f8: {  	v4 =	vld [tilespmem:s8+$0x30]  }
0x2f9: {  	v5 =	vld [tilespmem:s8+$0x20]  }
0x2fa: {  	v6 =	vld [tilespmem:s8+$0x10]  }
0x2fb: {  	v7 =	vld [tilespmem:s8+$0x0]  }
0x2fc: {  	v8 =	vld [tilespmem:s8+$0xFFFFFFF0]  }
0x2fd: {  	v9 =	vld [tilespmem:s8+$0xFFFFFFE0]  }
0x2fe: {  	v2 =	vld [tilespmem:s8+$0xFFFFFFD0]  }
0x2ff: {  	[tilespmem:v3+s3+$0x0] =	vst.idx.add.f32.msk $0xffff, v1  }
0x300: {  	[tilespmem:v4+s3+$0x0] =	vst.idx.add.f32.msk $0xffff, v1  }
.Ltmp34:
0x301: {  	[tilespmem:v5+s3+$0x0] =	vst.idx.add.f32.msk $0xffff, v1;
	(pc) =	sbr.rel @p0 .LBB2_70-.Ltmp34, $4  }
0x302: {  	[tilespmem:v6+s3+$0x0] =	vst.idx.add.f32.msk $0xffff, v1  }
0x303: {  	[tilespmem:v7+s3+$0x0] =	vst.idx.add.f32.msk $0xffff, v1  }
0x304: {  	[tilespmem:v8+s3+$0x0] =	vst.idx.add.f32.msk $0xffff, v1  }
0x305: {  	[tilespmem:v9+s3+$0x0] =	vst.idx.add.f32.msk $0xffff, v1  }
0x306: {  	_ =	sdelay $0x3  }
0x307: {  	[tilespmem:v2+s3+$0x0] =	vst.idx.add.f32.msk $0xffff, v1;
	s8 =	simm.s32 $0x0  }
.LBB2_72:
0x308: {  	s9 =	sshra.s32 s8, $0x2  }
0x309: {  	v2 =	vld [tilespmem:s9+$0x3E80];
	_ =	sdelay $0x2  }
0x30a: {  	p0 =	sne.s32 s8, $0xC0  }
.Ltmp35:
0x30b: {  	_ = 	snop;
	(pc) =	sbr.rel @p0 .LBB2_72-.Ltmp35, $2  }
0x30c: {  	_ =	sdelay $0x2  }
0x30d: {  	s8 =	sadd.s32 $0x40, s8;
	[tilespmem:v2+s3+$0x0] =	vst.idx.add.f32.msk $0xffff, v1  }
0x30e: {  	[tilespmem:s31], [sflag:$0x2] =	stream.linear.gather [hbm4b:s23+s2], $0x1F40, $0x38;
	[tilespmem:$0x1E580] =	vst v63  }
0x30f: {  	_ =	swait.ge [sflag:s5], $0x1F40  }
0x310: {  	[sflag:s5] =	ssyncset.done $0x0  }
0x311: {  	s8 =	simm.s32 $0x3F40;
	[sflag:s5] =	ssyncadd.s32 $0xFFFFE0C0  }
0x312: {  	v3 =	vld [tilespmem:s8+$0xFFFFFFC0]  }
0x313: {  	v4 =	vld [tilespmem:s8+$0x30]  }
0x314: {  	v5 =	vld [tilespmem:s8+$0x20]  }
0x315: {  	v6 =	vld [tilespmem:s8+$0x10]  }
0x316: {  	v7 =	vld [tilespmem:s8+$0x0]  }
0x317: {  	v8 =	vld [tilespmem:s8+$0xFFFFFFF0]  }
0x318: {  	v9 =	vld [tilespmem:s8+$0xFFFFFFE0]  }
0x319: {  	v2 =	vld [tilespmem:s8+$0xFFFFFFD0]  }
0x31a: {  	[tilespmem:v3+s3+$0x0] =	vst.idx.add.f32.msk $0xffff, v1  }
0x31b: {  	[tilespmem:v4+s3+$0x0] =	vst.idx.add.f32.msk $0xffff, v1  }
0x31c: {  	[tilespmem:v5+s3+$0x0] =	vst.idx.add.f32.msk $0xffff, v1  }
0x31d: {  	[tilespmem:v6+s3+$0x0] =	vst.idx.add.f32.msk $0xffff, v1  }
0x31e: {  	[tilespmem:v7+s3+$0x0] =	vst.idx.add.f32.msk $0xffff, v1  }
0x31f: {  	[tilespmem:v8+s3+$0x0] =	vst.idx.add.f32.msk $0xffff, v1  }
0x320: {  	s9 =	simm.s32 $0x0;
	[tilespmem:v9+s3+$0x0] =	vst.idx.add.f32.msk $0xffff, v1  }
.LBB2_74:
0x321: {  	s9 =	sadd.s32 $0x8, s9;
	[tilespmem:v2+s3+$0x0] =	vst.idx.add.f32.msk $0xffff, v1;
	s8 =	sadd.s32 $0x80, s8  }
0x322: {  	v3 =	vld [tilespmem:s8+$0xFFFFFFC0];
	p0 =	slt.u32 s9, $0x1E8  }
0x323: {  	v4 =	vld [tilespmem:s8+$0x30]  }
0x324: {  	v5 =	vld [tilespmem:s8+$0x20]  }
0x325: {  	v6 =	vld [tilespmem:s8+$0x10]  }
0x326: {  	v7 =	vld [tilespmem:s8+$0x0]  }
0x327: {  	v8 =	vld [tilespmem:s8+$0xFFFFFFF0]  }
0x328: {  	v9 =	vld [tilespmem:s8+$0xFFFFFFE0]  }
0x329: {  	v2 =	vld [tilespmem:s8+$0xFFFFFFD0]  }
0x32a: {  	[tilespmem:v3+s3+$0x0] =	vst.idx.add.f32.msk $0xffff, v1  }
0x32b: {  	[tilespmem:v4+s3+$0x0] =	vst.idx.add.f32.msk $0xffff, v1  }
.Ltmp36:
0x32c: {  	[tilespmem:v5+s3+$0x0] =	vst.idx.add.f32.msk $0xffff, v1;
	(pc) =	sbr.rel @p0 .LBB2_74-.Ltmp36, $4  }
0x32d: {  	[tilespmem:v6+s3+$0x0] =	vst.idx.add.f32.msk $0xffff, v1  }
0x32e: {  	[tilespmem:v7+s3+$0x0] =	vst.idx.add.f32.msk $0xffff, v1  }
0x32f: {  	[tilespmem:v8+s3+$0x0] =	vst.idx.add.f32.msk $0xffff, v1  }
0x330: {  	[tilespmem:v9+s3+$0x0] =	vst.idx.add.f32.msk $0xffff, v1  }
0x331: {  	_ =	sdelay $0x3  }
0x332: {  	[tilespmem:v2+s3+$0x0] =	vst.idx.add.f32.msk $0xffff, v1;
	s8 =	simm.s32 $0x0  }
.LBB2_76:
0x333: {  	s9 =	sshra.s32 s8, $0x2  }
0x334: {  	v2 =	vld [tilespmem:s9+$0x5E00];
	_ =	sdelay $0x2  }
0x335: {  	p0 =	sne.s32 s8, $0xC0  }
.Ltmp37:
0x336: {  	_ = 	snop;
	(pc) =	sbr.rel @p0 .LBB2_76-.Ltmp37, $2  }
0x337: {  	_ =	sdelay $0x2  }
0x338: {  	s8 =	sadd.s32 $0x40, s8;
	[tilespmem:v2+s3+$0x0] =	vst.idx.add.f32.msk $0xffff, v1  }
0x339: {  	[tilespmem:s1], [sflag:$0x3] =	stream.linear.gather [hbm4b:s24+s2], $0x1F40, $0x38;
	[tilespmem:$0x1E580] =	vst v63  }
0x33a: {  	_ =	swait.ge [sflag:s0], $0x1F40  }
0x33b: {  	[sflag:s0] =	ssyncset.done $0x0  }
0x33c: {  	s8 =	simm.s32 $0x40;
	[sflag:s0] =	ssyncadd.s32 $0xFFFFE0C0  }
0x33d: {  	v3 =	vld [tilespmem:s8+$0xFFFFFFC0]  }
0x33e: {  	v4 =	vld [tilespmem:s8+$0x30]  }
0x33f: {  	v5 =	vld [tilespmem:s8+$0x20]  }
0x340: {  	v6 =	vld [tilespmem:s8+$0x10]  }
0x341: {  	v7 =	vld [tilespmem:s8+$0x0]  }
0x342: {  	v8 =	vld [tilespmem:s8+$0xFFFFFFF0]  }
0x343: {  	v9 =	vld [tilespmem:s8+$0xFFFFFFE0]  }
0x344: {  	v2 =	vld [tilespmem:s8+$0xFFFFFFD0]  }
0x345: {  	[tilespmem:v3+s3+$0x0] =	vst.idx.add.f32.msk $0xffff, v1  }
0x346: {  	[tilespmem:v4+s3+$0x0] =	vst.idx.add.f32.msk $0xffff, v1  }
0x347: {  	[tilespmem:v5+s3+$0x0] =	vst.idx.add.f32.msk $0xffff, v1  }
0x348: {  	[tilespmem:v6+s3+$0x0] =	vst.idx.add.f32.msk $0xffff, v1  }
0x349: {  	[tilespmem:v7+s3+$0x0] =	vst.idx.add.f32.msk $0xffff, v1  }
0x34a: {  	[tilespmem:v8+s3+$0x0] =	vst.idx.add.f32.msk $0xffff, v1  }
0x34b: {  	s9 =	simm.s32 $0x0;
	[tilespmem:v9+s3+$0x0] =	vst.idx.add.f32.msk $0xffff, v1  }
.LBB2_78:
0x34c: {  	s9 =	sadd.s32 $0x8, s9;
	[tilespmem:v2+s3+$0x0] =	vst.idx.add.f32.msk $0xffff, v1;
	s8 =	sadd.s32 $0x80, s8  }
0x34d: {  	v3 =	vld [tilespmem:s8+$0xFFFFFFC0];
	p0 =	slt.u32 s9, $0x1E8  }
0x34e: {  	v4 =	vld [tilespmem:s8+$0x30]  }
0x34f: {  	v5 =	vld [tilespmem:s8+$0x20]  }
0x350: {  	v6 =	vld [tilespmem:s8+$0x10]  }
0x351: {  	v7 =	vld [tilespmem:s8+$0x0]  }
0x352: {  	v8 =	vld [tilespmem:s8+$0xFFFFFFF0]  }
0x353: {  	v9 =	vld [tilespmem:s8+$0xFFFFFFE0]  }
0x354: {  	v2 =	vld [tilespmem:s8+$0xFFFFFFD0]  }
0x355: {  	[tilespmem:v3+s3+$0x0] =	vst.idx.add.f32.msk $0xffff, v1  }
0x356: {  	[tilespmem:v4+s3+$0x0] =	vst.idx.add.f32.msk $0xffff, v1  }
.Ltmp38:
0x357: {  	[tilespmem:v5+s3+$0x0] =	vst.idx.add.f32.msk $0xffff, v1;
	(pc) =	sbr.rel @p0 .LBB2_78-.Ltmp38, $4  }
0x358: {  	[tilespmem:v6+s3+$0x0] =	vst.idx.add.f32.msk $0xffff, v1  }
0x359: {  	[tilespmem:v7+s3+$0x0] =	vst.idx.add.f32.msk $0xffff, v1  }
0x35a: {  	[tilespmem:v8+s3+$0x0] =	vst.idx.add.f32.msk $0xffff, v1  }
0x35b: {  	[tilespmem:v9+s3+$0x0] =	vst.idx.add.f32.msk $0xffff, v1  }
0x35c: {  	_ =	sdelay $0x3  }
0x35d: {  	[tilespmem:v2+s3+$0x0] =	vst.idx.add.f32.msk $0xffff, v1;
	s8 =	simm.s32 $0x0  }
.LBB2_80:
0x35e: {  	s9 =	sshra.s32 s8, $0x2  }
0x35f: {  	v2 =	vld [tilespmem:s9+$0x1F00];
	_ =	sdelay $0x2  }
0x360: {  	p0 =	sne.s32 s8, $0xC0  }
.Ltmp39:
0x361: {  	_ = 	snop;
	(pc) =	sbr.rel @p0 .LBB2_80-.Ltmp39, $2  }
0x362: {  	_ =	sdelay $0x2  }
0x363: {  	s8 =	sadd.s32 $0x40, s8;
	[tilespmem:v2+s3+$0x0] =	vst.idx.add.f32.msk $0xffff, v1  }
0x364: {  	[tilespmem:s2], [sflag:$0x1] =	stream.linear.gather [hbm4b:s25+s2], $0x1F40, $0x38;
	[tilespmem:$0x1E580] =	vst v63  }
0x365: {  	_ =	swait.ge [sflag:s4], $0x1F40  }
0x366: {  	[sflag:s4] =	ssyncset.done $0x0  }
0x367: {  	s8 =	simm.s32 $0x1FC0;
	[sflag:s4] =	ssyncadd.s32 $0xFFFFE0C0  }
0x368: {  	v3 =	vld [tilespmem:s8+$0xFFFFFFC0]  }
0x369: {  	v4 =	vld [tilespmem:s8+$0x30]  }
0x36a: {  	v5 =	vld [tilespmem:s8+$0x20]  }
0x36b: {  	v6 =	vld [tilespmem:s8+$0x10]  }
0x36c: {  	v7 =	vld [tilespmem:s8+$0x0]  }
0x36d: {  	v8 =	vld [tilespmem:s8+$0xFFFFFFF0]  }
0x36e: {  	v9 =	vld [tilespmem:s8+$0xFFFFFFE0]  }
0x36f: {  	v2 =	vld [tilespmem:s8+$0xFFFFFFD0]  }
0x370: {  	[tilespmem:v3+s3+$0x0] =	vst.idx.add.f32.msk $0xffff, v1  }
0x371: {  	[tilespmem:v4+s3+$0x0] =	vst.idx.add.f32.msk $0xffff, v1  }
0x372: {  	[tilespmem:v5+s3+$0x0] =	vst.idx.add.f32.msk $0xffff, v1  }
0x373: {  	[tilespmem:v6+s3+$0x0] =	vst.idx.add.f32.msk $0xffff, v1  }
0x374: {  	[tilespmem:v7+s3+$0x0] =	vst.idx.add.f32.msk $0xffff, v1  }
0x375: {  	[tilespmem:v8+s3+$0x0] =	vst.idx.add.f32.msk $0xffff, v1  }
0x376: {  	s9 =	simm.s32 $0x0;
	[tilespmem:v9+s3+$0x0] =	vst.idx.add.f32.msk $0xffff, v1  }
.LBB2_82:
0x377: {  	s9 =	sadd.s32 $0x8, s9;
	[tilespmem:v2+s3+$0x0] =	vst.idx.add.f32.msk $0xffff, v1;
	s8 =	sadd.s32 $0x80, s8  }
0x378: {  	v3 =	vld [tilespmem:s8+$0xFFFFFFC0];
	p0 =	slt.u32 s9, $0x1E8  }
0x379: {  	v4 =	vld [tilespmem:s8+$0x30]  }
0x37a: {  	v5 =	vld [tilespmem:s8+$0x20]  }
0x37b: {  	v6 =	vld [tilespmem:s8+$0x10]  }
0x37c: {  	v7 =	vld [tilespmem:s8+$0x0]  }
0x37d: {  	v8 =	vld [tilespmem:s8+$0xFFFFFFF0]  }
0x37e: {  	v9 =	vld [tilespmem:s8+$0xFFFFFFE0]  }
0x37f: {  	v2 =	vld [tilespmem:s8+$0xFFFFFFD0]  }
0x380: {  	[tilespmem:v3+s3+$0x0] =	vst.idx.add.f32.msk $0xffff, v1  }
0x381: {  	[tilespmem:v4+s3+$0x0] =	vst.idx.add.f32.msk $0xffff, v1  }
.Ltmp40:
0x382: {  	[tilespmem:v5+s3+$0x0] =	vst.idx.add.f32.msk $0xffff, v1;
	(pc) =	sbr.rel @p0 .LBB2_82-.Ltmp40, $4  }
0x383: {  	[tilespmem:v6+s3+$0x0] =	vst.idx.add.f32.msk $0xffff, v1  }
0x384: {  	[tilespmem:v7+s3+$0x0] =	vst.idx.add.f32.msk $0xffff, v1  }
0x385: {  	[tilespmem:v8+s3+$0x0] =	vst.idx.add.f32.msk $0xffff, v1  }
0x386: {  	[tilespmem:v9+s3+$0x0] =	vst.idx.add.f32.msk $0xffff, v1  }
0x387: {  	_ =	sdelay $0x3  }
0x388: {  	[tilespmem:v2+s3+$0x0] =	vst.idx.add.f32.msk $0xffff, v1;
	s8 =	simm.s32 $0x0  }
.LBB2_84:
0x389: {  	s9 =	sshra.s32 s8, $0x2  }
0x38a: {  	v2 =	vld [tilespmem:s9+$0x3E80];
	_ =	sdelay $0x2  }
0x38b: {  	p0 =	sne.s32 s8, $0xC0  }
.Ltmp41:
0x38c: {  	_ = 	snop;
	(pc) =	sbr.rel @p0 .LBB2_84-.Ltmp41, $2  }
0x38d: {  	_ =	sdelay $0x2  }
0x38e: {  	s8 =	sadd.s32 $0x40, s8;
	[tilespmem:v2+s3+$0x0] =	vst.idx.add.f32.msk $0xffff, v1  }
0x38f: {  	[tilespmem:s31], [sflag:$0x2] =	stream.linear.gather [hbm4b:s26+s2], $0x1F40, $0x38;
	[tilespmem:$0x1E580] =	vst v63  }
0x390: {  	_ =	swait.ge [sflag:s5], $0x1F40  }
0x391: {  	[sflag:s5] =	ssyncset.done $0x0  }
0x392: {  	s8 =	simm.s32 $0x3F40;
	[sflag:s5] =	ssyncadd.s32 $0xFFFFE0C0  }
0x393: {  	v3 =	vld [tilespmem:s8+$0xFFFFFFC0]  }
0x394: {  	v4 =	vld [tilespmem:s8+$0x30]  }
0x395: {  	v5 =	vld [tilespmem:s8+$0x20]  }
0x396: {  	v6 =	vld [tilespmem:s8+$0x10]  }
0x397: {  	v7 =	vld [tilespmem:s8+$0x0]  }
0x398: {  	v8 =	vld [tilespmem:s8+$0xFFFFFFF0]  }
0x399: {  	v9 =	vld [tilespmem:s8+$0xFFFFFFE0]  }
0x39a: {  	v2 =	vld [tilespmem:s8+$0xFFFFFFD0]  }
0x39b: {  	[tilespmem:v3+s3+$0x0] =	vst.idx.add.f32.msk $0xffff, v1  }
0x39c: {  	[tilespmem:v4+s3+$0x0] =	vst.idx.add.f32.msk $0xffff, v1  }
0x39d: {  	[tilespmem:v5+s3+$0x0] =	vst.idx.add.f32.msk $0xffff, v1  }
0x39e: {  	[tilespmem:v6+s3+$0x0] =	vst.idx.add.f32.msk $0xffff, v1  }
0x39f: {  	[tilespmem:v7+s3+$0x0] =	vst.idx.add.f32.msk $0xffff, v1  }
0x3a0: {  	[tilespmem:v8+s3+$0x0] =	vst.idx.add.f32.msk $0xffff, v1  }
0x3a1: {  	s9 =	simm.s32 $0x0;
	[tilespmem:v9+s3+$0x0] =	vst.idx.add.f32.msk $0xffff, v1  }
.LBB2_86:
0x3a2: {  	s9 =	sadd.s32 $0x8, s9;
	[tilespmem:v2+s3+$0x0] =	vst.idx.add.f32.msk $0xffff, v1;
	s8 =	sadd.s32 $0x80, s8  }
0x3a3: {  	v3 =	vld [tilespmem:s8+$0xFFFFFFC0];
	p0 =	slt.u32 s9, $0x1E8  }
0x3a4: {  	v4 =	vld [tilespmem:s8+$0x30]  }
0x3a5: {  	v5 =	vld [tilespmem:s8+$0x20]  }
0x3a6: {  	v6 =	vld [tilespmem:s8+$0x10]  }
0x3a7: {  	v7 =	vld [tilespmem:s8+$0x0]  }
0x3a8: {  	v8 =	vld [tilespmem:s8+$0xFFFFFFF0]  }
0x3a9: {  	v9 =	vld [tilespmem:s8+$0xFFFFFFE0]  }
0x3aa: {  	v2 =	vld [tilespmem:s8+$0xFFFFFFD0]  }
0x3ab: {  	[tilespmem:v3+s3+$0x0] =	vst.idx.add.f32.msk $0xffff, v1  }
0x3ac: {  	[tilespmem:v4+s3+$0x0] =	vst.idx.add.f32.msk $0xffff, v1  }
.Ltmp42:
0x3ad: {  	[tilespmem:v5+s3+$0x0] =	vst.idx.add.f32.msk $0xffff, v1;
	(pc) =	sbr.rel @p0 .LBB2_86-.Ltmp42, $4  }
0x3ae: {  	[tilespmem:v6+s3+$0x0] =	vst.idx.add.f32.msk $0xffff, v1  }
0x3af: {  	[tilespmem:v7+s3+$0x0] =	vst.idx.add.f32.msk $0xffff, v1  }
0x3b0: {  	[tilespmem:v8+s3+$0x0] =	vst.idx.add.f32.msk $0xffff, v1  }
0x3b1: {  	[tilespmem:v9+s3+$0x0] =	vst.idx.add.f32.msk $0xffff, v1  }
0x3b2: {  	_ =	sdelay $0x3  }
0x3b3: {  	[tilespmem:v2+s3+$0x0] =	vst.idx.add.f32.msk $0xffff, v1;
	s8 =	simm.s32 $0x0  }
.LBB2_88:
0x3b4: {  	s9 =	sshra.s32 s8, $0x2  }
0x3b5: {  	v2 =	vld [tilespmem:s9+$0x5E00];
	_ =	sdelay $0x2  }
0x3b6: {  	p0 =	sne.s32 s8, $0xC0  }
.Ltmp43:
0x3b7: {  	_ = 	snop;
	(pc) =	sbr.rel @p0 .LBB2_88-.Ltmp43, $2  }
0x3b8: {  	_ =	sdelay $0x2  }
0x3b9: {  	s8 =	sadd.s32 $0x40, s8;
	[tilespmem:v2+s3+$0x0] =	vst.idx.add.f32.msk $0xffff, v1  }
0x3ba: {  	[tilespmem:s1], [sflag:$0x3] =	stream.linear.gather [hbm4b:s28+s2], $0x1F40, $0x38;
	[tilespmem:$0x1E580] =	vst v63  }
0x3bb: {  	_ =	swait.ge [sflag:s0], $0x1F40  }
0x3bc: {  	[sflag:s0] =	ssyncset.done $0x0  }
0x3bd: {  	s8 =	simm.s32 $0x40;
	[sflag:s0] =	ssyncadd.s32 $0xFFFFE0C0  }
0x3be: {  	v3 =	vld [tilespmem:s8+$0xFFFFFFC0]  }
0x3bf: {  	v4 =	vld [tilespmem:s8+$0x30]  }
0x3c0: {  	v5 =	vld [tilespmem:s8+$0x20]  }
0x3c1: {  	v6 =	vld [tilespmem:s8+$0x10]  }
0x3c2: {  	v7 =	vld [tilespmem:s8+$0x0]  }
0x3c3: {  	v8 =	vld [tilespmem:s8+$0xFFFFFFF0]  }
0x3c4: {  	v9 =	vld [tilespmem:s8+$0xFFFFFFE0]  }
0x3c5: {  	v2 =	vld [tilespmem:s8+$0xFFFFFFD0]  }
0x3c6: {  	[tilespmem:v3+s3+$0x0] =	vst.idx.add.f32.msk $0xffff, v1  }
0x3c7: {  	[tilespmem:v4+s3+$0x0] =	vst.idx.add.f32.msk $0xffff, v1  }
0x3c8: {  	[tilespmem:v5+s3+$0x0] =	vst.idx.add.f32.msk $0xffff, v1  }
0x3c9: {  	[tilespmem:v6+s3+$0x0] =	vst.idx.add.f32.msk $0xffff, v1  }
0x3ca: {  	[tilespmem:v7+s3+$0x0] =	vst.idx.add.f32.msk $0xffff, v1  }
0x3cb: {  	[tilespmem:v8+s3+$0x0] =	vst.idx.add.f32.msk $0xffff, v1  }
0x3cc: {  	s9 =	simm.s32 $0x0;
	[tilespmem:v9+s3+$0x0] =	vst.idx.add.f32.msk $0xffff, v1  }
.LBB2_90:
0x3cd: {  	s9 =	sadd.s32 $0x8, s9;
	[tilespmem:v2+s3+$0x0] =	vst.idx.add.f32.msk $0xffff, v1;
	s8 =	sadd.s32 $0x80, s8  }
0x3ce: {  	v3 =	vld [tilespmem:s8+$0xFFFFFFC0];
	p0 =	slt.u32 s9, $0x1E8  }
0x3cf: {  	v4 =	vld [tilespmem:s8+$0x30]  }
0x3d0: {  	v5 =	vld [tilespmem:s8+$0x20]  }
0x3d1: {  	v6 =	vld [tilespmem:s8+$0x10]  }
0x3d2: {  	v7 =	vld [tilespmem:s8+$0x0]  }
0x3d3: {  	v8 =	vld [tilespmem:s8+$0xFFFFFFF0]  }
0x3d4: {  	v9 =	vld [tilespmem:s8+$0xFFFFFFE0]  }
0x3d5: {  	v2 =	vld [tilespmem:s8+$0xFFFFFFD0]  }
0x3d6: {  	[tilespmem:v3+s3+$0x0] =	vst.idx.add.f32.msk $0xffff, v1  }
0x3d7: {  	[tilespmem:v4+s3+$0x0] =	vst.idx.add.f32.msk $0xffff, v1  }
.Ltmp44:
0x3d8: {  	[tilespmem:v5+s3+$0x0] =	vst.idx.add.f32.msk $0xffff, v1;
	(pc) =	sbr.rel @p0 .LBB2_90-.Ltmp44, $4  }
0x3d9: {  	[tilespmem:v6+s3+$0x0] =	vst.idx.add.f32.msk $0xffff, v1  }
0x3da: {  	[tilespmem:v7+s3+$0x0] =	vst.idx.add.f32.msk $0xffff, v1  }
0x3db: {  	[tilespmem:v8+s3+$0x0] =	vst.idx.add.f32.msk $0xffff, v1  }
0x3dc: {  	[tilespmem:v9+s3+$0x0] =	vst.idx.add.f32.msk $0xffff, v1  }
0x3dd: {  	_ =	sdelay $0x3  }
0x3de: {  	[tilespmem:v2+s3+$0x0] =	vst.idx.add.f32.msk $0xffff, v1;
	s8 =	simm.s32 $0x0  }
.LBB2_92:
0x3df: {  	s9 =	sshra.s32 s8, $0x2  }
0x3e0: {  	v2 =	vld [tilespmem:s9+$0x1F00];
	_ =	sdelay $0x2  }
0x3e1: {  	p0 =	sne.s32 s8, $0xC0  }
.Ltmp45:
0x3e2: {  	_ = 	snop;
	(pc) =	sbr.rel @p0 .LBB2_92-.Ltmp45, $2  }
0x3e3: {  	_ =	sdelay $0x2  }
0x3e4: {  	s8 =	sadd.s32 $0x40, s8;
	[tilespmem:v2+s3+$0x0] =	vst.idx.add.f32.msk $0xffff, v1  }
0x3e5: {  	[tilespmem:s2], [sflag:$0x1] =	stream.linear.gather [hbm4b:s29+s2], $0x1F40, $0x38;
	[tilespmem:$0x1E580] =	vst v63  }
0x3e6: {  	_ =	swait.ge [sflag:s4], $0x1F40  }
0x3e7: {  	[sflag:s4] =	ssyncset.done $0x0  }
0x3e8: {  	s8 =	simm.s32 $0x1FC0;
	[sflag:s4] =	ssyncadd.s32 $0xFFFFE0C0  }
0x3e9: {  	v3 =	vld [tilespmem:s8+$0xFFFFFFC0]  }
0x3ea: {  	v4 =	vld [tilespmem:s8+$0x30]  }
0x3eb: {  	v5 =	vld [tilespmem:s8+$0x20]  }
0x3ec: {  	v6 =	vld [tilespmem:s8+$0x10]  }
0x3ed: {  	v7 =	vld [tilespmem:s8+$0x0]  }
0x3ee: {  	v8 =	vld [tilespmem:s8+$0xFFFFFFF0]  }
0x3ef: {  	v9 =	vld [tilespmem:s8+$0xFFFFFFE0]  }
0x3f0: {  	v2 =	vld [tilespmem:s8+$0xFFFFFFD0]  }
0x3f1: {  	[tilespmem:v3+s3+$0x0] =	vst.idx.add.f32.msk $0xffff, v1  }
0x3f2: {  	[tilespmem:v4+s3+$0x0] =	vst.idx.add.f32.msk $0xffff, v1  }
0x3f3: {  	[tilespmem:v5+s3+$0x0] =	vst.idx.add.f32.msk $0xffff, v1  }
0x3f4: {  	[tilespmem:v6+s3+$0x0] =	vst.idx.add.f32.msk $0xffff, v1  }
0x3f5: {  	[tilespmem:v7+s3+$0x0] =	vst.idx.add.f32.msk $0xffff, v1  }
0x3f6: {  	[tilespmem:v8+s3+$0x0] =	vst.idx.add.f32.msk $0xffff, v1  }
0x3f7: {  	s9 =	simm.s32 $0x0;
	[tilespmem:v9+s3+$0x0] =	vst.idx.add.f32.msk $0xffff, v1  }
.LBB2_94:
0x3f8: {  	s9 =	sadd.s32 $0x8, s9;
	[tilespmem:v2+s3+$0x0] =	vst.idx.add.f32.msk $0xffff, v1;
	s8 =	sadd.s32 $0x80, s8  }
0x3f9: {  	v3 =	vld [tilespmem:s8+$0xFFFFFFC0];
	p0 =	slt.u32 s9, $0x1E8  }
0x3fa: {  	v4 =	vld [tilespmem:s8+$0x30]  }
0x3fb: {  	v5 =	vld [tilespmem:s8+$0x20]  }
0x3fc: {  	v6 =	vld [tilespmem:s8+$0x10]  }
0x3fd: {  	v7 =	vld [tilespmem:s8+$0x0]  }
0x3fe: {  	v8 =	vld [tilespmem:s8+$0xFFFFFFF0]  }
0x3ff: {  	v9 =	vld [tilespmem:s8+$0xFFFFFFE0]  }
0x400: {  	v2 =	vld [tilespmem:s8+$0xFFFFFFD0]  }
0x401: {  	[tilespmem:v3+s3+$0x0] =	vst.idx.add.f32.msk $0xffff, v1  }
0x402: {  	[tilespmem:v4+s3+$0x0] =	vst.idx.add.f32.msk $0xffff, v1  }
.Ltmp46:
0x403: {  	[tilespmem:v5+s3+$0x0] =	vst.idx.add.f32.msk $0xffff, v1;
	(pc) =	sbr.rel @p0 .LBB2_94-.Ltmp46, $4  }
0x404: {  	[tilespmem:v6+s3+$0x0] =	vst.idx.add.f32.msk $0xffff, v1  }
0x405: {  	[tilespmem:v7+s3+$0x0] =	vst.idx.add.f32.msk $0xffff, v1  }
0x406: {  	[tilespmem:v8+s3+$0x0] =	vst.idx.add.f32.msk $0xffff, v1  }
0x407: {  	[tilespmem:v9+s3+$0x0] =	vst.idx.add.f32.msk $0xffff, v1  }
0x408: {  	_ =	sdelay $0x3  }
0x409: {  	[tilespmem:v2+s3+$0x0] =	vst.idx.add.f32.msk $0xffff, v1;
	s8 =	simm.s32 $0x0  }
.LBB2_96:
0x40a: {  	s9 =	sshra.s32 s8, $0x2  }
0x40b: {  	v2 =	vld [tilespmem:s9+$0x3E80];
	_ =	sdelay $0x2  }
0x40c: {  	p0 =	sne.s32 s8, $0xC0  }
.Ltmp47:
0x40d: {  	_ = 	snop;
	(pc) =	sbr.rel @p0 .LBB2_96-.Ltmp47, $2  }
0x40e: {  	_ =	sdelay $0x2  }
0x40f: {  	s8 =	sadd.s32 $0x40, s8;
	[tilespmem:v2+s3+$0x0] =	vst.idx.add.f32.msk $0xffff, v1  }
0x410: {  	_ =	swait.ge [sflag:s5], $0x1F40  }
0x411: {  	[sflag:s5] =	ssyncset.done $0x0  }
0x412: {  	s8 =	simm.s32 $0x3F40;
	[sflag:s5] =	ssyncadd.s32 $0xFFFFE0C0  }
0x413: {  	v3 =	vld [tilespmem:s8+$0xFFFFFFC0]  }
0x414: {  	v4 =	vld [tilespmem:s8+$0x30]  }
0x415: {  	v5 =	vld [tilespmem:s8+$0x20]  }
0x416: {  	v6 =	vld [tilespmem:s8+$0x10]  }
0x417: {  	v7 =	vld [tilespmem:s8+$0x0]  }
0x418: {  	v8 =	vld [tilespmem:s8+$0xFFFFFFF0]  }
0x419: {  	v9 =	vld [tilespmem:s8+$0xFFFFFFE0]  }
0x41a: {  	v2 =	vld [tilespmem:s8+$0xFFFFFFD0]  }
0x41b: {  	[tilespmem:v3+s3+$0x0] =	vst.idx.add.f32.msk $0xffff, v1  }
0x41c: {  	[tilespmem:v4+s3+$0x0] =	vst.idx.add.f32.msk $0xffff, v1  }
0x41d: {  	[tilespmem:v5+s3+$0x0] =	vst.idx.add.f32.msk $0xffff, v1  }
0x41e: {  	[tilespmem:v6+s3+$0x0] =	vst.idx.add.f32.msk $0xffff, v1  }
0x41f: {  	[tilespmem:v7+s3+$0x0] =	vst.idx.add.f32.msk $0xffff, v1  }
0x420: {  	[tilespmem:v8+s3+$0x0] =	vst.idx.add.f32.msk $0xffff, v1  }
0x421: {  	s9 =	simm.s32 $0x0;
	[tilespmem:v9+s3+$0x0] =	vst.idx.add.f32.msk $0xffff, v1  }
.LBB2_98:
0x422: {  	s9 =	sadd.s32 $0x8, s9;
	[tilespmem:v2+s3+$0x0] =	vst.idx.add.f32.msk $0xffff, v1;
	s8 =	sadd.s32 $0x80, s8  }
0x423: {  	v3 =	vld [tilespmem:s8+$0xFFFFFFC0];
	p0 =	slt.u32 s9, $0x1E8  }
0x424: {  	v4 =	vld [tilespmem:s8+$0x30]  }
0x425: {  	v5 =	vld [tilespmem:s8+$0x20]  }
0x426: {  	v6 =	vld [tilespmem:s8+$0x10]  }
0x427: {  	v7 =	vld [tilespmem:s8+$0x0]  }
0x428: {  	v8 =	vld [tilespmem:s8+$0xFFFFFFF0]  }
0x429: {  	v9 =	vld [tilespmem:s8+$0xFFFFFFE0]  }
0x42a: {  	v2 =	vld [tilespmem:s8+$0xFFFFFFD0]  }
0x42b: {  	[tilespmem:v3+s3+$0x0] =	vst.idx.add.f32.msk $0xffff, v1  }
0x42c: {  	[tilespmem:v4+s3+$0x0] =	vst.idx.add.f32.msk $0xffff, v1  }
.Ltmp48:
0x42d: {  	[tilespmem:v5+s3+$0x0] =	vst.idx.add.f32.msk $0xffff, v1;
	(pc) =	sbr.rel @p0 .LBB2_98-.Ltmp48, $4  }
0x42e: {  	[tilespmem:v6+s3+$0x0] =	vst.idx.add.f32.msk $0xffff, v1  }
0x42f: {  	[tilespmem:v7+s3+$0x0] =	vst.idx.add.f32.msk $0xffff, v1  }
0x430: {  	[tilespmem:v8+s3+$0x0] =	vst.idx.add.f32.msk $0xffff, v1  }
0x431: {  	[tilespmem:v9+s3+$0x0] =	vst.idx.add.f32.msk $0xffff, v1  }
0x432: {  	_ =	sdelay $0x3  }
0x433: {  	[tilespmem:v2+s3+$0x0] =	vst.idx.add.f32.msk $0xffff, v1;
	s8 =	simm.s32 $0x0  }
.LBB2_100:
0x434: {  	s9 =	sshra.s32 s8, $0x2  }
0x435: {  	v2 =	vld [tilespmem:s9+$0x5E00];
	_ =	sdelay $0x2  }
0x436: {  	p0 =	sne.s32 s8, $0xC0  }
.Ltmp49:
0x437: {  	_ = 	snop;
	(pc) =	sbr.rel @p0 .LBB2_100-.Ltmp49, $2  }
0x438: {  	_ =	sdelay $0x2  }
0x439: {  	s8 =	sadd.s32 $0x40, s8;
	[tilespmem:v2+s3+$0x0] =	vst.idx.add.f32.msk $0xffff, v1  }
0x43a: {  	_ =	swait.ge [sflag:s0], $0x1F40  }
0x43b: {  	[sflag:s0] =	ssyncset.done $0x0  }
0x43c: {  	s8 =	simm.s32 $0x40;
	[sflag:s0] =	ssyncadd.s32 $0xFFFFE0C0  }
0x43d: {  	v3 =	vld [tilespmem:s8+$0xFFFFFFC0]  }
0x43e: {  	v4 =	vld [tilespmem:s8+$0x30]  }
0x43f: {  	v5 =	vld [tilespmem:s8+$0x20]  }
0x440: {  	v6 =	vld [tilespmem:s8+$0x10]  }
0x441: {  	v7 =	vld [tilespmem:s8+$0x0]  }
0x442: {  	v8 =	vld [tilespmem:s8+$0xFFFFFFF0]  }
0x443: {  	v9 =	vld [tilespmem:s8+$0xFFFFFFE0]  }
0x444: {  	v2 =	vld [tilespmem:s8+$0xFFFFFFD0]  }
0x445: {  	[tilespmem:v3+s3+$0x0] =	vst.idx.add.f32.msk $0xffff, v1  }
0x446: {  	[tilespmem:v4+s3+$0x0] =	vst.idx.add.f32.msk $0xffff, v1  }
0x447: {  	[tilespmem:v5+s3+$0x0] =	vst.idx.add.f32.msk $0xffff, v1  }
0x448: {  	[tilespmem:v6+s3+$0x0] =	vst.idx.add.f32.msk $0xffff, v1  }
0x449: {  	[tilespmem:v7+s3+$0x0] =	vst.idx.add.f32.msk $0xffff, v1  }
0x44a: {  	[tilespmem:v8+s3+$0x0] =	vst.idx.add.f32.msk $0xffff, v1  }
0x44b: {  	s9 =	simm.s32 $0x0;
	[tilespmem:v9+s3+$0x0] =	vst.idx.add.f32.msk $0xffff, v1  }
.LBB2_102:
0x44c: {  	s9 =	sadd.s32 $0x8, s9;
	[tilespmem:v2+s3+$0x0] =	vst.idx.add.f32.msk $0xffff, v1;
	s8 =	sadd.s32 $0x80, s8  }
0x44d: {  	v3 =	vld [tilespmem:s8+$0xFFFFFFC0];
	p0 =	slt.u32 s9, $0x1E8  }
0x44e: {  	v4 =	vld [tilespmem:s8+$0x30]  }
0x44f: {  	v5 =	vld [tilespmem:s8+$0x20]  }
0x450: {  	v6 =	vld [tilespmem:s8+$0x10]  }
0x451: {  	v7 =	vld [tilespmem:s8+$0x0]  }
0x452: {  	v8 =	vld [tilespmem:s8+$0xFFFFFFF0]  }
0x453: {  	v9 =	vld [tilespmem:s8+$0xFFFFFFE0]  }
0x454: {  	v2 =	vld [tilespmem:s8+$0xFFFFFFD0]  }
0x455: {  	[tilespmem:v3+s3+$0x0] =	vst.idx.add.f32.msk $0xffff, v1  }
0x456: {  	[tilespmem:v4+s3+$0x0] =	vst.idx.add.f32.msk $0xffff, v1  }
.Ltmp50:
0x457: {  	[tilespmem:v5+s3+$0x0] =	vst.idx.add.f32.msk $0xffff, v1;
	(pc) =	sbr.rel @p0 .LBB2_102-.Ltmp50, $4  }
0x458: {  	[tilespmem:v6+s3+$0x0] =	vst.idx.add.f32.msk $0xffff, v1  }
0x459: {  	[tilespmem:v7+s3+$0x0] =	vst.idx.add.f32.msk $0xffff, v1  }
0x45a: {  	[tilespmem:v8+s3+$0x0] =	vst.idx.add.f32.msk $0xffff, v1  }
0x45b: {  	[tilespmem:v9+s3+$0x0] =	vst.idx.add.f32.msk $0xffff, v1  }
0x45c: {  	_ =	sdelay $0x3  }
0x45d: {  	[tilespmem:v2+s3+$0x0] =	vst.idx.add.f32.msk $0xffff, v1;
	s8 =	simm.s32 $0x0  }
.LBB2_104:
0x45e: {  	s9 =	sshra.s32 s8, $0x2  }
0x45f: {  	v2 =	vld [tilespmem:s9+$0x1F00];
	_ =	sdelay $0x2  }
0x460: {  	p0 =	sne.s32 s8, $0xC0  }
.Ltmp51:
0x461: {  	_ = 	snop;
	(pc) =	sbr.rel @p0 .LBB2_104-.Ltmp51, $2  }
0x462: {  	_ =	sdelay $0x2  }
0x463: {  	s8 =	sadd.s32 $0x40, s8;
	[tilespmem:v2+s3+$0x0] =	vst.idx.add.f32.msk $0xffff, v1  }
0x464: {  	s7 =	sadd.s32 $0x1, s7  }
0x465: {  	p0 =	sne.s32 s7, s30  }
.Ltmp52:
0x466: {  	_ = 	snop;
	(pc) =	sbr.rel @p0 .LBB2_1-.Ltmp52, $4  }
0x467: {  	[hbm4b:s22+s2] =	stream.linear.scatter [tilespmem:s3], [sflag:$0x4], $0x186A0, $0x38;
	[tilespmem:$0x1E580] =	vst v63  }
0x468: {  	_ =	swait.ge [sflag:s6], $0x186A0  }
0x469: {  	[sflag:s6] =	ssyncset.done $0x0  }
0x46a: {  	[sflag:s6] =	ssyncadd.s32 $0xFFFE7960  }
0x46b: {  	_ =	sfence.sel $0x180000  }
0x46c: {  	[bflag:$0x0] =	sbarrier.arrive $0xFFFF  }
0x46d: {  	_ =	strace $0x90000047  }
0x46e: {  	s0 =	stileid.u32;
	[bflag:$0x2] =	sbarrier.arrive $0xFFFF  }
0x46f: {  	p0 =	sne.s32 s0, $0x0;
	s0 =	rddreg [dreg:$0x2]  }
0x470: {  	s0 =	sadd.s32 @!p0 $0x100000, s0  }
0x471: {  	[sflag:s0] =	ssyncadd.tile.s32 @!p0 $0x1;
	_ =	shalt  }
.Lfunc_end2:
_tile_overlayer_lowered:
.L_overlay_start_2:
0x472: {  	(tag) =	ssettag $0x2  }
0x473: {  	s0 =	rddreg [dreg:$0x0];
	s2 =	stileid.u32  }
0x474: {  	s1 =	rddreg [dreg:$0x1];
	p0 =	sne.s32 s2, $0x0  }
0x475: {  	s3 =	rddreg [dreg:$0x2];
	[bflag:$0x3] =	sbarrier.arrive $0xFFFF;
	s2 =	simm.s32 @!p0 $0x1C04  }
0x476: {  	[timem:s3], [sflag:s2] =	dma.local @!p0 [hbm:s0], s1  }
0x477: {  	s0 =	simm.s32 @!p0 $0x4  }
0x478: {  	_ =	swait.ge @!p0 [sflag:s0], s1  }
0x479: {  	s1 =	ssub.s32 @!p0 $0x0, s1;
	[sflag:s0] =	ssyncset.done @!p0 $0x0  }
0x47a: {  	[sflag:s0] =	ssyncadd.s32 @!p0 s1  }
0x47b: {  	[bflag:$0x3] =	sbarrier.arrive $0xFFFF  }
0x47c: {  	_ =	shalt  }

</sc_bundles>
